<compile_context>
chip_gen: v7x
topology: tpu7x:2x2x1
jax: 0.10.2.dev20260603
libtpu: 0.0.44.dev20260713+nightly
codegen_flags: <defaults>
</compile_context>

<pallas_src>
import functools

import jax
import jax.numpy as jnp
from jax import lax
from jax.experimental import pallas as pl
from jax.experimental.pallas import tpu as pltpu
from jax.experimental.pallas import tpu_sc as plsc

_N = 10000
_E = 320000
_HID = 128
_R = 2
_P = 0.5

_NC = 2
_NS = 16
_NW = _NC * _NS
_EPW = _E // _NW
_K = 80
_NCH = _EPW // _K
_NBUF = 4
_RPT = _N // _NS



def _sc_agg_body(hf, eidx_hbm, out, idxb, ring, acc,
                 i0, i1, i2, i3, g0, g1, g2, g3, s0, s1, s2, s3):
    c = lax.axis_index("c")
    s = lax.axis_index("s")
    wid = c * _NS + s
    isems = (i0, i1, i2, i3)
    gsems = (g0, g1, g2, g3)
    ssems = (s0, s1, s2, s3)

    zero = jnp.zeros((16,), jnp.float32)

    def zbody(i, carry):
        for lane0 in range(_HID // 16):
            ring[0, i, pl.ds(lane0 * 16, 16)] = zero
        return carry

    lax.fori_loop(0, _K, zbody, 0)
    for z in range(_RPT // _K):
        pltpu.sync_copy(ring.at[0], acc.at[pl.ds(s * _RPT + z * _K, _K)])
    pltpu.sync_copy(ring.at[0, pl.ds(0, _RPT % _K)],
                    acc.at[pl.ds(s * _RPT + (_RPT // _K) * _K, _RPT % _K)])
    plsc.subcore_barrier()

    def i_start(b, j):
        pltpu.async_copy(eidx_hbm.at[wid, j], idxb.at[b], isems[b])

    def i_wait(b):
        pltpu.make_async_copy(eidx_hbm.at[wid, 0], idxb.at[b],
                              isems[b]).wait()

    def g_start(b):
        pltpu.async_copy(hf.at[idxb.at[b, 0]], ring.at[b], gsems[b])

    def g_wait(b):
        pltpu.make_async_copy(hf.at[idxb.at[0, 0]], ring.at[b],
                              gsems[b]).wait()

    def s_start(b):
        pltpu.async_copy(ring.at[b], acc.at[idxb.at[b, 1]], ssems[b],
                         add=True)

    def s_wait(b):
        pltpu.make_async_copy(ring.at[b], acc.at[idxb.at[0, 1]],
                              ssems[b]).wait()

    for b in range(_NBUF):
        i_start(b, b)
    for b in range(_NBUF):
        i_wait(b)
        g_start(b)

    def body(i, carry):
        q = i * _NBUF
        for b in range(_NBUF):
            g_wait(b)
            s_start(b)
        for b in range(_NBUF):
            s_wait(b)
            i_start(b, q + _NBUF + b)
        for b in range(_NBUF):
            i_wait(b)
            g_start(b)
        return carry

    lax.fori_loop(0, _NCH // _NBUF - 1, body, 0)
    for b in range(_NBUF):
        g_wait(b)
        s_start(b)
    s_wait(0)
    i_start(0, _NCH - 1)
    i_wait(0)
    g_start(0)
    g_wait(0)
    s_start(0)
    s_wait(0)
    for b in range(1, _NBUF):
        s_wait(b)

    plsc.subcore_barrier()
    pltpu.sync_copy(acc.at[pl.ds(s * 624, 624)],
                    out.at[c, pl.ds(s * 624, 624)])

    @pl.when(s == 0)
    def _flush_tail():
        pltpu.sync_copy(acc.at[pl.ds(_NS * 624, _N - _NS * 624)],
                        out.at[c, pl.ds(_NS * 624, _N - _NS * 624)])


@functools.cache
def _get_sc_aggregate():
  return pl.kernel(
    _sc_agg_body,
    out_type=jax.ShapeDtypeStruct((_NC, _N, _HID), jnp.float32),
    mesh=plsc.VectorSubcoreMesh(core_axis_name="c", subcore_axis_name="s"),
    scratch_types=[
        pltpu.VMEM((_NBUF, 2, _K), jnp.int32),
        pltpu.VMEM((_NBUF, _K, _HID), jnp.float32),
        pltpu.VMEM_SHARED((_N, _HID), jnp.float32),
        pltpu.SemaphoreType.DMA,
        pltpu.SemaphoreType.DMA,
        pltpu.SemaphoreType.DMA,
        pltpu.SemaphoreType.DMA,
        pltpu.SemaphoreType.DMA,
        pltpu.SemaphoreType.DMA,
        pltpu.SemaphoreType.DMA,
        pltpu.SemaphoreType.DMA,
        pltpu.SemaphoreType.DMA,
        pltpu.SemaphoreType.DMA,
        pltpu.SemaphoreType.DMA,
        pltpu.SemaphoreType.DMA,
    ],
  )



def _proj_body(x, w0t, b0, m0, m1, hf):
    xp = jnp.dot(x[...], w0t[...], preferred_element_type=jnp.float32) + b0[...]
    hf[pl.ds(0, _N), :] = xp * m0[...]
    hf[pl.ds(_N, _N), :] = xp * m1[...]


_proj = pl.pallas_call(
    _proj_body,
    out_shape=jax.ShapeDtypeStruct((_R * _N, _HID), jnp.float32),
)


def _layer_body(hf, a, w1t, b1, g, bt, w2t, b2, eps, o):
    e = 1.0 + eps[...]
    h0 = hf[pl.ds(0, _N), :]
    h1 = hf[pl.ds(_N, _N), :]
    pre0 = h0 * e + (a[0] + a[1])
    pre1 = h1 * e
    z0 = jnp.dot(pre0, w1t[...], preferred_element_type=jnp.float32) + b1[...]
    z1 = jnp.dot(pre1, w1t[...], preferred_element_type=jnp.float32) + b1[...]
    m = (jnp.sum(z0, 0, keepdims=True) + jnp.sum(z1, 0, keepdims=True)) * (
        0.5 / _N)
    d0 = z0 - m
    d1 = z1 - m
    v = (jnp.sum(d0 * d0, 0, keepdims=True)
         + jnp.sum(d1 * d1, 0, keepdims=True)) * (0.5 / _N)
    scale = lax.rsqrt(v + 1e-5) * g[...]
    r0 = jnp.maximum(d0 * scale + bt[...], 0.0)
    r1 = jnp.maximum(d1 * scale + bt[...], 0.0)
    o[pl.ds(0, _N), :] = jnp.maximum(
        jnp.dot(r0, w2t[...], preferred_element_type=jnp.float32) + b2[...], 0.0)
    o[pl.ds(_N, _N), :] = jnp.maximum(
        jnp.dot(r1, w2t[...], preferred_element_type=jnp.float32) + b2[...], 0.0)


_layer = pl.pallas_call(
    _layer_body,
    out_shape=jax.ShapeDtypeStruct((_R * _N, _HID), jnp.float32),
)


def _fin_body(hf, wft, bf, o):
    hm = (hf[pl.ds(0, _N), :] + hf[pl.ds(_N, _N), :]) * 0.5
    o[...] = jnp.dot(hm, wft[...], preferred_element_type=jnp.float32) + bf[...]


_fin = pl.pallas_call(
    _fin_body,
    out_shape=jax.ShapeDtypeStruct((_N, 40), jnp.float32),
)


def kernel(x_author, edge_index, W0, b0, W1_0, b1_0, g_0, bt_0, W2_0, b2_0,
           eps_0, W1_1, b1_1, g_1, bt_1, W2_1, b2_1, eps_1, Wf, bf):
    mask = jax.random.bernoulli(
        jax.random.key(42), 1.0 - _P, (_R, _N)).astype(jnp.float32)
    mask = mask * (1.0 / (1.0 - _P))
    m0 = mask[0][:, None]
    m1 = mask[1][:, None]
    eidx = jnp.stack([edge_index[0].reshape(_NW, _NCH, _K),
                      edge_index[1].reshape(_NW, _NCH, _K)], axis=2)

    hf = _proj(x_author, W0.T, b0.reshape(1, -1), m0, m1)

    w1ts = jnp.stack([W1_0.T, W1_1.T])
    b1s = jnp.stack([b1_0, b1_1]).reshape(_R, 1, _HID)
    gs = jnp.stack([g_0, g_1]).reshape(_R, 1, _HID)
    bts = jnp.stack([bt_0, bt_1]).reshape(_R, 1, _HID)
    w2ts = jnp.stack([W2_0.T, W2_1.T])
    b2s = jnp.stack([b2_0, b2_1]).reshape(_R, 1, _HID)
    epss = jnp.stack([eps_0, eps_1]).reshape(_R, 1, 1)

    nlayers = 2 + lax.optimization_barrier(jnp.zeros((), jnp.int32))
    stacked = (w1ts, b1s, gs, bts, w2ts, b2s, epss)

    def cond(carry):
        return carry[0] < nlayers

    def step(carry):
        i, hfc = carry
        w1t, b1r, gr, btr, w2t, b2r, epsr = (
            lax.dynamic_index_in_dim(w, i, keepdims=False) for w in stacked)
        agg = _get_sc_aggregate()(hfc, eidx)
        hfc = _layer(hfc, agg, w1t, b1r, gr, btr, w2t, b2r, epsr)
        return (i + 1, hfc)

    _, hf = lax.while_loop(cond, step, (jnp.int32(0), hf))

    return _fin(hf, Wf.T, bf.reshape(1, -1))

# --- scband reference (transcript-rebuilt; emitter-appended) ---
"""Pipeline reference for scband-drop-hetero-gin-24137716203678 (READ-ONLY COPY).

The authoritative reference and input builder live on the scoring server;
editing this copy changes nothing except your own understanding.
"""

import jax, jax.numpy as jnp
import numpy as np

N = 10000
E = 320000
D = 128
HID = 128
NCLS = 40
NUM_RUNS = 2
P = 0.5


def setup_inputs(seed: int = 0):
    key = jax.random.key(seed)
    ks = jax.random.split(key, 24)
    inp = {}
    inp["x_author"] = jax.random.normal(ks[0], (N, D), jnp.float32)
    inp["edge_index"] = jax.random.randint(ks[1], (2, E), 0, N, dtype=jnp.int32)
    inp["W0"] = jax.random.normal(ks[2], (HID, D), jnp.float32) * 0.05
    inp["b0"] = jnp.zeros((HID,), jnp.float32)
    for li in range(2):
        o = 3 + li * 2
        inp["W1_%d" % li] = jax.random.normal(ks[o], (HID, HID), jnp.float32) * 0.05
        inp["b1_%d" % li] = jnp.zeros((HID,), jnp.float32)
        inp["g_%d" % li] = jnp.ones((HID,), jnp.float32)
        inp["bt_%d" % li] = jnp.zeros((HID,), jnp.float32)
        inp["W2_%d" % li] = jax.random.normal(ks[o + 1], (HID, HID), jnp.float32) * 0.05
        inp["b2_%d" % li] = jnp.zeros((HID,), jnp.float32)
        inp["eps_%d" % li] = jnp.array(0.0, jnp.float32)
    inp["Wf"] = jax.random.normal(ks[20], (NCLS, HID), jnp.float32) * 0.05
    inp["bf"] = jnp.zeros((NCLS,), jnp.float32)
    return inp


def _bn(z, g, b):
    m = jnp.mean(z, axis=0)
    v = jnp.var(z, axis=0)
    return (z - m) / jnp.sqrt(v + 1e-5) * g + b


def reference(x_author, edge_index, W0, b0, W1_0, b1_0, g_0, bt_0, W2_0, b2_0, eps_0, W1_1, b1_1, g_1, bt_1, W2_1, b2_1, eps_1, Wf, bf):
    # input projection (Linear for node type 'author')
    h = x_author @ W0.T + b0
    # expand over num_runs and apply per-run node dropout (DropGNN style)
    h = jnp.broadcast_to(h[None, :, :], (NUM_RUNS, N, HID))
    mask = jax.random.bernoulli(jax.random.key(42), 1.0 - P, (NUM_RUNS, N)).astype(jnp.float32)
    h = h * mask[:, :, None] / (1.0 - P)
    src = edge_index[0]
    dst = edge_index[1]
    layers = [(W1_0, b1_0, g_0, bt_0, W2_0, b2_0, eps_0),
              (W1_1, b1_1, g_1, bt_1, W2_1, b2_1, eps_1)]
    for (W1, b1, g, bt, W2, b2, eps) in layers:
        # GINConv applied on runs-flattened tensor, exactly as the torch code does:
        # edge_index only references the first N rows of the flattened [R*N, d] tensor.
        hf = h.reshape(-1, HID)
        msg = hf[src]
        aggr = jnp.zeros_like(hf).at[dst].add(msg)
        pre = (1.0 + eps) * hf + aggr
        z = pre @ W1.T + b1
        z = _bn(z, g, bt)
        z = jax.nn.relu(z)
        z = z @ W2.T + b2
        h = jax.nn.relu(z.reshape(NUM_RUNS, N, HID))
    hm = jnp.mean(h, axis=0)
    return hm @ Wf.T + bf

if __name__ == "__main__":
    import jax
    _d = setup_inputs()
    print(jax.jit(kernel)(*tuple(_d.values())))

</pallas_src>

<mosaic_0001>
#map = affine_map<(d0, d1) -> (0, 0)>
#map1 = affine_map<(d0, d1) -> (0, 0, 0, 0)>
#map2 = affine_map<(d0, d1) -> (0, 0, 0)>
module attributes {stable_mosaic.version = 14 : i64} {
  func.func @_sc_agg_body(%arg0: i32, %arg1: i32, %arg2: memref<20000x128xf32, #tpu.memory_space<hbm>>, %arg3: memref<32x125x2x80xi32, #tpu.memory_space<hbm>>, %arg4: memref<2x10000x128xf32, #tpu.memory_space<hbm>>, %arg5: memref<4x2x80xi32, #tpu.memory_space<vmem>>, %arg6: memref<4x80x128xf32, #tpu.memory_space<vmem>>, %arg7: memref<10000x128xf32, #tpu.memory_space<vmem_shared>>, %arg8: memref<!tpu.dma_semaphore, #tpu.memory_space<semaphore_mem>>, %arg9: memref<!tpu.dma_semaphore, #tpu.memory_space<semaphore_mem>>, %arg10: memref<!tpu.dma_semaphore, #tpu.memory_space<semaphore_mem>>, %arg11: memref<!tpu.dma_semaphore, #tpu.memory_space<semaphore_mem>>, %arg12: memref<!tpu.dma_semaphore, #tpu.memory_space<semaphore_mem>>, %arg13: memref<!tpu.dma_semaphore, #tpu.memory_space<semaphore_mem>>, %arg14: memref<!tpu.dma_semaphore, #tpu.memory_space<semaphore_mem>>, %arg15: memref<!tpu.dma_semaphore, #tpu.memory_space<semaphore_mem>>, %arg16: memref<!tpu.dma_semaphore, #tpu.memory_space<semaphore_mem>>, %arg17: memref<!tpu.dma_semaphore, #tpu.memory_space<semaphore_mem>>, %arg18: memref<!tpu.dma_semaphore, #tpu.memory_space<semaphore_mem>>, %arg19: memref<!tpu.dma_semaphore, #tpu.memory_space<semaphore_mem>>) attributes {dimension_semantics = [#tpu.dimension_semantics<core_parallel>, #tpu.dimension_semantics<subcore_parallel>], iteration_bounds = array<i64: 2, 16>, scalar_prefetch = 0 : i64, scratch_operands = 15 : i64, tpu.core_type = #tpu.core_type<sc_vector_subcore>, window_params = [{transform_indices = #map}, {transform_indices = #map1}, {transform_indices = #map2}]} {
    %mul3A = arith.constant 16 : i32
    %mul3A_0 = arith.muli %arg0, %mul3A : i32
    %add3A = arith.addi %mul3A_0, %arg1 : i32
    %broadcast_in_dim3A = arith.constant 0.000000e+00 : f32
    %broadcast_in_dim3A_1 = vector.broadcast %broadcast_in_dim3A : f32 to vector<16xf32>
    %scan3A = arith.constant 0 : i32
    %scan3A_2 = arith.constant 0 : i32
    %scan3A_3 = arith.constant 80 : i32
    %scan3A_4 = arith.addi %scan3A_2, %scan3A_3 : i32
    %scan3A_5 = arith.constant 1 : i32
    scf.for %scan3A_497 = %scan3A_2 to %scan3A_4 step %scan3A_5  : i32 {
      %swap3A = arith.constant 0 : i32
      %swap3A_498 = arith.index_cast %swap3A : i32 to index
      %swap3A_499 = arith.index_cast %scan3A_497 : i32 to index
      %swap3A_500 = arith.constant 0 : index
      %swap3A_501 = tpu.vector_load %arg6[%swap3A_498, %swap3A_499, %swap3A_500] {strides = array<i32>} : memref<4x80x128xf32, #tpu.memory_space<vmem>>, vector<1x1x16xf32>,
      %swap3A_502 = vector.shape_cast %swap3A_501 : vector<1x1x16xf32> to vector<16xf32>
      %swap3A_503 = vector.shape_cast %broadcast_in_dim3A_1 : vector<16xf32> to vector<1x1x16xf32>
      tpu.vector_store %arg6[%swap3A_498, %swap3A_499, %swap3A_500], %swap3A_503 {strides = array<i32>} : memref<4x80x128xf32, #tpu.memory_space<vmem>>, vector<1x1x16xf32>,
      %swap3A_504 = arith.constant 0 : i32
      %swap3A_505 = arith.index_cast %swap3A_504 : i32 to index
      %swap3A_506 = arith.index_cast %scan3A_497 : i32 to index
      %swap3A_507 = arith.constant 16 : index
      %swap3A_508 = tpu.vector_load %arg6[%swap3A_505, %swap3A_506, %swap3A_507] {strides = array<i32>} : memref<4x80x128xf32, #tpu.memory_space<vmem>>, vector<1x1x16xf32>,
      %swap3A_509 = vector.shape_cast %swap3A_508 : vector<1x1x16xf32> to vector<16xf32>
      %swap3A_510 = vector.shape_cast %broadcast_in_dim3A_1 : vector<16xf32> to vector<1x1x16xf32>
      tpu.vector_store %arg6[%swap3A_505, %swap3A_506, %swap3A_507], %swap3A_510 {strides = array<i32>} : memref<4x80x128xf32, #tpu.memory_space<vmem>>, vector<1x1x16xf32>,
      %swap3A_511 = arith.constant 0 : i32
      %swap3A_512 = arith.index_cast %swap3A_511 : i32 to index
      %swap3A_513 = arith.index_cast %scan3A_497 : i32 to index
      %swap3A_514 = arith.constant 32 : index
      %swap3A_515 = tpu.vector_load %arg6[%swap3A_512, %swap3A_513, %swap3A_514] {strides = array<i32>} : memref<4x80x128xf32, #tpu.memory_space<vmem>>, vector<1x1x16xf32>,
      %swap3A_516 = vector.shape_cast %swap3A_515 : vector<1x1x16xf32> to vector<16xf32>
      %swap3A_517 = vector.shape_cast %broadcast_in_dim3A_1 : vector<16xf32> to vector<1x1x16xf32>
      tpu.vector_store %arg6[%swap3A_512, %swap3A_513, %swap3A_514], %swap3A_517 {strides = array<i32>} : memref<4x80x128xf32, #tpu.memory_space<vmem>>, vector<1x1x16xf32>,
      %swap3A_518 = arith.constant 0 : i32
      %swap3A_519 = arith.index_cast %swap3A_518 : i32 to index
      %swap3A_520 = arith.index_cast %scan3A_497 : i32 to index
      %swap3A_521 = arith.constant 48 : index
      %swap3A_522 = tpu.vector_load %arg6[%swap3A_519, %swap3A_520, %swap3A_521] {strides = array<i32>} : memref<4x80x128xf32, #tpu.memory_space<vmem>>, vector<1x1x16xf32>,
      %swap3A_523 = vector.shape_cast %swap3A_522 : vector<1x1x16xf32> to vector<16xf32>
      %swap3A_524 = vector.shape_cast %broadcast_in_dim3A_1 : vector<16xf32> to vector<1x1x16xf32>
      tpu.vector_store %arg6[%swap3A_519, %swap3A_520, %swap3A_521], %swap3A_524 {strides = array<i32>} : memref<4x80x128xf32, #tpu.memory_space<vmem>>, vector<1x1x16xf32>,
      %swap3A_525 = arith.constant 0 : i32
      %swap3A_526 = arith.index_cast %swap3A_525 : i32 to index
      %swap3A_527 = arith.index_cast %scan3A_497 : i32 to index
      %swap3A_528 = arith.constant 64 : index
      %swap3A_529 = tpu.vector_load %arg6[%swap3A_526, %swap3A_527, %swap3A_528] {strides = array<i32>} : memref<4x80x128xf32, #tpu.memory_space<vmem>>, vector<1x1x16xf32>,
      %swap3A_530 = vector.shape_cast %swap3A_529 : vector<1x1x16xf32> to vector<16xf32>
      %swap3A_531 = vector.shape_cast %broadcast_in_dim3A_1 : vector<16xf32> to vector<1x1x16xf32>
      tpu.vector_store %arg6[%swap3A_526, %swap3A_527, %swap3A_528], %swap3A_531 {strides = array<i32>} : memref<4x80x128xf32, #tpu.memory_space<vmem>>, vector<1x1x16xf32>,
      %swap3A_532 = arith.constant 0 : i32
      %swap3A_533 = arith.index_cast %swap3A_532 : i32 to index
      %swap3A_534 = arith.index_cast %scan3A_497 : i32 to index
      %swap3A_535 = arith.constant 80 : index
      %swap3A_536 = tpu.vector_load %arg6[%swap3A_533, %swap3A_534, %swap3A_535] {strides = array<i32>} : memref<4x80x128xf32, #tpu.memory_space<vmem>>, vector<1x1x16xf32>,
      %swap3A_537 = vector.shape_cast %swap3A_536 : vector<1x1x16xf32> to vector<16xf32>
      %swap3A_538 = vector.shape_cast %broadcast_in_dim3A_1 : vector<16xf32> to vector<1x1x16xf32>
      tpu.vector_store %arg6[%swap3A_533, %swap3A_534, %swap3A_535], %swap3A_538 {strides = array<i32>} : memref<4x80x128xf32, #tpu.memory_space<vmem>>, vector<1x1x16xf32>,
      %swap3A_539 = arith.constant 0 : i32
      %swap3A_540 = arith.index_cast %swap3A_539 : i32 to index
      %swap3A_541 = arith.index_cast %scan3A_497 : i32 to index
      %swap3A_542 = arith.constant 96 : index
      %swap3A_543 = tpu.vector_load %arg6[%swap3A_540, %swap3A_541, %swap3A_542] {strides = array<i32>} : memref<4x80x128xf32, #tpu.memory_space<vmem>>, vector<1x1x16xf32>,
      %swap3A_544 = vector.shape_cast %swap3A_543 : vector<1x1x16xf32> to vector<16xf32>
      %swap3A_545 = vector.shape_cast %broadcast_in_dim3A_1 : vector<16xf32> to vector<1x1x16xf32>
      tpu.vector_store %arg6[%swap3A_540, %swap3A_541, %swap3A_542], %swap3A_545 {strides = array<i32>} : memref<4x80x128xf32, #tpu.memory_space<vmem>>, vector<1x1x16xf32>,
      %swap3A_546 = arith.constant 0 : i32
      %swap3A_547 = arith.index_cast %swap3A_546 : i32 to index
      %swap3A_548 = arith.index_cast %scan3A_497 : i32 to index
      %swap3A_549 = arith.constant 112 : index
      %swap3A_550 = tpu.vector_load %arg6[%swap3A_547, %swap3A_548, %swap3A_549] {strides = array<i32>} : memref<4x80x128xf32, #tpu.memory_space<vmem>>, vector<1x1x16xf32>,
      %swap3A_551 = vector.shape_cast %swap3A_550 : vector<1x1x16xf32> to vector<16xf32>
      %swap3A_552 = vector.shape_cast %broadcast_in_dim3A_1 : vector<16xf32> to vector<1x1x16xf32>
      tpu.vector_store %arg6[%swap3A_547, %swap3A_548, %swap3A_549], %swap3A_552 {strides = array<i32>} : memref<4x80x128xf32, #tpu.memory_space<vmem>>, vector<1x1x16xf32>,
    }
    %scan3A_6 = arith.constant 80 : i32
    %mul3A_7 = arith.constant 625 : i32
    %mul3A_8 = arith.muli %arg1, %mul3A_7 : i32
    %add3A_9 = arith.constant 0 : i32
    %add3A_10 = arith.addi %mul3A_8, %add3A_9 : i32
    %run_scoped3A = arith.constant 0 : i32
    "tpu.region"() ({
      %run_scoped3A_497 = tpu.sem_alloc : memref<!tpu.dma_semaphore, #tpu.memory_space<semaphore_mem>>
      %dma_start3A_498 = arith.constant 0 : i32
      %dma_start3A_499 = arith.constant 0 : i32
      %dma_start3A_500 = tpu.memref_slice %arg6[%run_scoped3A, %dma_start3A_498, %dma_start3A_499] : memref<4x80x128xf32, #tpu.memory_space<vmem>> -> memref<1x80x128xf32, #tpu.memory_space<vmem>>
      %dma_start3A_501 = tpu.memref_squeeze %dma_start3A_500 : memref<1x80x128xf32, #tpu.memory_space<vmem>> -> memref<80x128xf32, #tpu.memory_space<vmem>>
      %dma_start3A_502 = arith.constant 0 : i32
      %dma_start3A_503 = tpu.memref_slice %arg7[%add3A_10, %dma_start3A_502] : memref<10000x128xf32, #tpu.memory_space<vmem_shared>> -> memref<80x128xf32, #tpu.memory_space<vmem_shared>>
      %dma_start3A_504 = arith.constant 0 : i32
      %dma_start3A_505 = tpu.memref_slice %arg7[%add3A_10, %dma_start3A_504] : memref<10000x128xf32, #tpu.memory_space<vmem_shared>> -> memref<80x128xf32, #tpu.memory_space<vmem_shared>>
      %dma_start3A_506 = arith.constant 0 : i32
      %dma_start3A_507 = arith.constant 0 : i32
      %dma_start3A_508 = tpu.memref_slice %arg6[%run_scoped3A, %dma_start3A_506, %dma_start3A_507] : memref<4x80x128xf32, #tpu.memory_space<vmem>> -> memref<1x80x128xf32, #tpu.memory_space<vmem>>
      %dma_start3A_509 = tpu.memref_squeeze %dma_start3A_508 : memref<1x80x128xf32, #tpu.memory_space<vmem>> -> memref<80x128xf32, #tpu.memory_space<vmem>>
      tpu.enqueue_dma source(%dma_start3A_509 : memref<80x128xf32, #tpu.memory_space<vmem>>) target(%dma_start3A_505 : memref<80x128xf32, #tpu.memory_space<vmem_shared>>) target_semaphore(%run_scoped3A_497 : memref<!tpu.dma_semaphore, #tpu.memory_space<semaphore_mem>>)
      %dma_wait3A_510 = arith.constant 0 : i32
      %dma_wait3A_511 = arith.constant 0 : i32
      %dma_wait3A_512 = tpu.memref_slice %arg6[%run_scoped3A, %dma_wait3A_510, %dma_wait3A_511] : memref<4x80x128xf32, #tpu.memory_space<vmem>> -> memref<1x80x128xf32, #tpu.memory_space<vmem>>
      %dma_wait3A_513 = tpu.memref_squeeze %dma_wait3A_512 : memref<1x80x128xf32, #tpu.memory_space<vmem>> -> memref<80x128xf32, #tpu.memory_space<vmem>>
      %dma_wait3A_514 = arith.constant 0 : i32
      %dma_wait3A_515 = tpu.memref_slice %arg7[%add3A_10, %dma_wait3A_514] : memref<10000x128xf32, #tpu.memory_space<vmem_shared>> -> memref<80x128xf32, #tpu.memory_space<vmem_shared>>
      %dma_wait3A_516 = arith.constant 0 : i32
      %dma_wait3A_517 = tpu.memref_slice %arg7[%add3A_10, %dma_wait3A_516] : memref<10000x128xf32, #tpu.memory_space<vmem_shared>> -> memref<80x128xf32, #tpu.memory_space<vmem_shared>>
      %dma_wait3A_518 = arith.constant 0 : i32
      %dma_wait3A_519 = arith.constant 0 : i32
      %dma_wait3A_520 = tpu.memref_slice %arg6[%run_scoped3A, %dma_wait3A_518, %dma_wait3A_519] : memref<4x80x128xf32, #tpu.memory_space<vmem>> -> memref<1x80x128xf32, #tpu.memory_space<vmem>>
      %dma_wait3A_521 = tpu.memref_squeeze %dma_wait3A_520 : memref<1x80x128xf32, #tpu.memory_space<vmem>> -> memref<80x128xf32, #tpu.memory_space<vmem>>
      tpu.wait_dma2 semaphore(%run_scoped3A_497 : memref<!tpu.dma_semaphore, #tpu.memory_space<semaphore_mem>>) src(%dma_wait3A_521 : memref<80x128xf32, #tpu.memory_space<vmem>>) dst(%dma_wait3A_517 : memref<80x128xf32, #tpu.memory_space<vmem_shared>>)
      tpu.yield
    }) : () -> ()
    %mul3A_11 = arith.constant 625 : i32
    %mul3A_12 = arith.muli %arg1, %mul3A_11 : i32
    %add3A_13 = arith.constant 80 : i32
    %add3A_14 = arith.addi %mul3A_12, %add3A_13 : i32
    %run_scoped3A_15 = arith.constant 0 : i32
    "tpu.region"() ({
      %run_scoped3A_497 = tpu.sem_alloc : memref<!tpu.dma_semaphore, #tpu.memory_space<semaphore_mem>>
      %dma_start3A_498 = arith.constant 0 : i32
      %dma_start3A_499 = arith.constant 0 : i32
      %dma_start3A_500 = tpu.memref_slice %arg6[%run_scoped3A_15, %dma_start3A_498, %dma_start3A_499] : memref<4x80x128xf32, #tpu.memory_space<vmem>> -> memref<1x80x128xf32, #tpu.memory_space<vmem>>
      %dma_start3A_501 = tpu.memref_squeeze %dma_start3A_500 : memref<1x80x128xf32, #tpu.memory_space<vmem>> -> memref<80x128xf32, #tpu.memory_space<vmem>>
      %dma_start3A_502 = arith.constant 0 : i32
      %dma_start3A_503 = tpu.memref_slice %arg7[%add3A_14, %dma_start3A_502] : memref<10000x128xf32, #tpu.memory_space<vmem_shared>> -> memref<80x128xf32, #tpu.memory_space<vmem_shared>>
      %dma_start3A_504 = arith.constant 0 : i32
      %dma_start3A_505 = tpu.memref_slice %arg7[%add3A_14, %dma_start3A_504] : memref<10000x128xf32, #tpu.memory_space<vmem_shared>> -> memref<80x128xf32, #tpu.memory_space<vmem_shared>>
      %dma_start3A_506 = arith.constant 0 : i32
      %dma_start3A_507 = arith.constant 0 : i32
      %dma_start3A_508 = tpu.memref_slice %arg6[%run_scoped3A_15, %dma_start3A_506, %dma_start3A_507] : memref<4x80x128xf32, #tpu.memory_space<vmem>> -> memref<1x80x128xf32, #tpu.memory_space<vmem>>
      %dma_start3A_509 = tpu.memref_squeeze %dma_start3A_508 : memref<1x80x128xf32, #tpu.memory_space<vmem>> -> memref<80x128xf32, #tpu.memory_space<vmem>>
      tpu.enqueue_dma source(%dma_start3A_509 : memref<80x128xf32, #tpu.memory_space<vmem>>) target(%dma_start3A_505 : memref<80x128xf32, #tpu.memory_space<vmem_shared>>) target_semaphore(%run_scoped3A_497 : memref<!tpu.dma_semaphore, #tpu.memory_space<semaphore_mem>>)
      %dma_wait3A_510 = arith.constant 0 : i32
      %dma_wait3A_511 = arith.constant 0 : i32
      %dma_wait3A_512 = tpu.memref_slice %arg6[%run_scoped3A_15, %dma_wait3A_510, %dma_wait3A_511] : memref<4x80x128xf32, #tpu.memory_space<vmem>> -> memref<1x80x128xf32, #tpu.memory_space<vmem>>
      %dma_wait3A_513 = tpu.memref_squeeze %dma_wait3A_512 : memref<1x80x128xf32, #tpu.memory_space<vmem>> -> memref<80x128xf32, #tpu.memory_space<vmem>>
      %dma_wait3A_514 = arith.constant 0 : i32
      %dma_wait3A_515 = tpu.memref_slice %arg7[%add3A_14, %dma_wait3A_514] : memref<10000x128xf32, #tpu.memory_space<vmem_shared>> -> memref<80x128xf32, #tpu.memory_space<vmem_shared>>
      %dma_wait3A_516 = arith.constant 0 : i32
      %dma_wait3A_517 = tpu.memref_slice %arg7[%add3A_14, %dma_wait3A_516] : memref<10000x128xf32, #tpu.memory_space<vmem_shared>> -> memref<80x128xf32, #tpu.memory_space<vmem_shared>>
      %dma_wait3A_518 = arith.constant 0 : i32
      %dma_wait3A_519 = arith.constant 0 : i32
      %dma_wait3A_520 = tpu.memref_slice %arg6[%run_scoped3A_15, %dma_wait3A_518, %dma_wait3A_519] : memref<4x80x128xf32, #tpu.memory_space<vmem>> -> memref<1x80x128xf32, #tpu.memory_space<vmem>>
      %dma_wait3A_521 = tpu.memref_squeeze %dma_wait3A_520 : memref<1x80x128xf32, #tpu.memory_space<vmem>> -> memref<80x128xf32, #tpu.memory_space<vmem>>
      tpu.wait_dma2 semaphore(%run_scoped3A_497 : memref<!tpu.dma_semaphore, #tpu.memory_space<semaphore_mem>>) src(%dma_wait3A_521 : memref<80x128xf32, #tpu.memory_space<vmem>>) dst(%dma_wait3A_517 : memref<80x128xf32, #tpu.memory_space<vmem_shared>>)
      tpu.yield
    }) : () -> ()
    %mul3A_16 = arith.constant 625 : i32
    %mul3A_17 = arith.muli %arg1, %mul3A_16 : i32
    %add3A_18 = arith.constant 160 : i32
    %add3A_19 = arith.addi %mul3A_17, %add3A_18 : i32
    %run_scoped3A_20 = arith.constant 0 : i32
    "tpu.region"() ({
      %run_scoped3A_497 = tpu.sem_alloc : memref<!tpu.dma_semaphore, #tpu.memory_space<semaphore_mem>>
      %dma_start3A_498 = arith.constant 0 : i32
      %dma_start3A_499 = arith.constant 0 : i32
      %dma_start3A_500 = tpu.memref_slice %arg6[%run_scoped3A_20, %dma_start3A_498, %dma_start3A_499] : memref<4x80x128xf32, #tpu.memory_space<vmem>> -> memref<1x80x128xf32, #tpu.memory_space<vmem>>
      %dma_start3A_501 = tpu.memref_squeeze %dma_start3A_500 : memref<1x80x128xf32, #tpu.memory_space<vmem>> -> memref<80x128xf32, #tpu.memory_space<vmem>>
      %dma_start3A_502 = arith.constant 0 : i32
      %dma_start3A_503 = tpu.memref_slice %arg7[%add3A_19, %dma_start3A_502] : memref<10000x128xf32, #tpu.memory_space<vmem_shared>> -> memref<80x128xf32, #tpu.memory_space<vmem_shared>>
      %dma_start3A_504 = arith.constant 0 : i32
      %dma_start3A_505 = tpu.memref_slice %arg7[%add3A_19, %dma_start3A_504] : memref<10000x128xf32, #tpu.memory_space<vmem_shared>> -> memref<80x128xf32, #tpu.memory_space<vmem_shared>>
      %dma_start3A_506 = arith.constant 0 : i32
      %dma_start3A_507 = arith.constant 0 : i32
      %dma_start3A_508 = tpu.memref_slice %arg6[%run_scoped3A_20, %dma_start3A_506, %dma_start3A_507] : memref<4x80x128xf32, #tpu.memory_space<vmem>> -> memref<1x80x128xf32, #tpu.memory_space<vmem>>
      %dma_start3A_509 = tpu.memref_squeeze %dma_start3A_508 : memref<1x80x128xf32, #tpu.memory_space<vmem>> -> memref<80x128xf32, #tpu.memory_space<vmem>>
      tpu.enqueue_dma source(%dma_start3A_509 : memref<80x128xf32, #tpu.memory_space<vmem>>) target(%dma_start3A_505 : memref<80x128xf32, #tpu.memory_space<vmem_shared>>) target_semaphore(%run_scoped3A_497 : memref<!tpu.dma_semaphore, #tpu.memory_space<semaphore_mem>>)
      %dma_wait3A_510 = arith.constant 0 : i32
      %dma_wait3A_511 = arith.constant 0 : i32
      %dma_wait3A_512 = tpu.memref_slice %arg6[%run_scoped3A_20, %dma_wait3A_510, %dma_wait3A_511] : memref<4x80x128xf32, #tpu.memory_space<vmem>> -> memref<1x80x128xf32, #tpu.memory_space<vmem>>
      %dma_wait3A_513 = tpu.memref_squeeze %dma_wait3A_512 : memref<1x80x128xf32, #tpu.memory_space<vmem>> -> memref<80x128xf32, #tpu.memory_space<vmem>>
      %dma_wait3A_514 = arith.constant 0 : i32
      %dma_wait3A_515 = tpu.memref_slice %arg7[%add3A_19, %dma_wait3A_514] : memref<10000x128xf32, #tpu.memory_space<vmem_shared>> -> memref<80x128xf32, #tpu.memory_space<vmem_shared>>
      %dma_wait3A_516 = arith.constant 0 : i32
      %dma_wait3A_517 = tpu.memref_slice %arg7[%add3A_19, %dma_wait3A_516] : memref<10000x128xf32, #tpu.memory_space<vmem_shared>> -> memref<80x128xf32, #tpu.memory_space<vmem_shared>>
      %dma_wait3A_518 = arith.constant 0 : i32
      %dma_wait3A_519 = arith.constant 0 : i32
      %dma_wait3A_520 = tpu.memref_slice %arg6[%run_scoped3A_20, %dma_wait3A_518, %dma_wait3A_519] : memref<4x80x128xf32, #tpu.memory_space<vmem>> -> memref<1x80x128xf32, #tpu.memory_space<vmem>>
      %dma_wait3A_521 = tpu.memref_squeeze %dma_wait3A_520 : memref<1x80x128xf32, #tpu.memory_space<vmem>> -> memref<80x128xf32, #tpu.memory_space<vmem>>
      tpu.wait_dma2 semaphore(%run_scoped3A_497 : memref<!tpu.dma_semaphore, #tpu.memory_space<semaphore_mem>>) src(%dma_wait3A_521 : memref<80x128xf32, #tpu.memory_space<vmem>>) dst(%dma_wait3A_517 : memref<80x128xf32, #tpu.memory_space<vmem_shared>>)
      tpu.yield
    }) : () -> ()
    %mul3A_21 = arith.constant 625 : i32
    %mul3A_22 = arith.muli %arg1, %mul3A_21 : i32
    %add3A_23 = arith.constant 240 : i32
    %add3A_24 = arith.addi %mul3A_22, %add3A_23 : i32
    %run_scoped3A_25 = arith.constant 0 : i32
    "tpu.region"() ({
      %run_scoped3A_497 = tpu.sem_alloc : memref<!tpu.dma_semaphore, #tpu.memory_space<semaphore_mem>>
      %dma_start3A_498 = arith.constant 0 : i32
      %dma_start3A_499 = arith.constant 0 : i32
      %dma_start3A_500 = tpu.memref_slice %arg6[%run_scoped3A_25, %dma_start3A_498, %dma_start3A_499] : memref<4x80x128xf32, #tpu.memory_space<vmem>> -> memref<1x80x128xf32, #tpu.memory_space<vmem>>
      %dma_start3A_501 = tpu.memref_squeeze %dma_start3A_500 : memref<1x80x128xf32, #tpu.memory_space<vmem>> -> memref<80x128xf32, #tpu.memory_space<vmem>>
      %dma_start3A_502 = arith.constant 0 : i32
      %dma_start3A_503 = tpu.memref_slice %arg7[%add3A_24, %dma_start3A_502] : memref<10000x128xf32, #tpu.memory_space<vmem_shared>> -> memref<80x128xf32, #tpu.memory_space<vmem_shared>>
      %dma_start3A_504 = arith.constant 0 : i32
      %dma_start3A_505 = tpu.memref_slice %arg7[%add3A_24, %dma_start3A_504] : memref<10000x128xf32, #tpu.memory_space<vmem_shared>> -> memref<80x128xf32, #tpu.memory_space<vmem_shared>>
      %dma_start3A_506 = arith.constant 0 : i32
      %dma_start3A_507 = arith.constant 0 : i32
      %dma_start3A_508 = tpu.memref_slice %arg6[%run_scoped3A_25, %dma_start3A_506, %dma_start3A_507] : memref<4x80x128xf32, #tpu.memory_space<vmem>> -> memref<1x80x128xf32, #tpu.memory_space<vmem>>
      %dma_start3A_509 = tpu.memref_squeeze %dma_start3A_508 : memref<1x80x128xf32, #tpu.memory_space<vmem>> -> memref<80x128xf32, #tpu.memory_space<vmem>>
      tpu.enqueue_dma source(%dma_start3A_509 : memref<80x128xf32, #tpu.memory_space<vmem>>) target(%dma_start3A_505 : memref<80x128xf32, #tpu.memory_space<vmem_shared>>) target_semaphore(%run_scoped3A_497 : memref<!tpu.dma_semaphore, #tpu.memory_space<semaphore_mem>>)
      %dma_wait3A_510 = arith.constant 0 : i32
      %dma_wait3A_511 = arith.constant 0 : i32
      %dma_wait3A_512 = tpu.memref_slice %arg6[%run_scoped3A_25, %dma_wait3A_510, %dma_wait3A_511] : memref<4x80x128xf32, #tpu.memory_space<vmem>> -> memref<1x80x128xf32, #tpu.memory_space<vmem>>
      %dma_wait3A_513 = tpu.memref_squeeze %dma_wait3A_512 : memref<1x80x128xf32, #tpu.memory_space<vmem>> -> memref<80x128xf32, #tpu.memory_space<vmem>>
      %dma_wait3A_514 = arith.constant 0 : i32
      %dma_wait3A_515 = tpu.memref_slice %arg7[%add3A_24, %dma_wait3A_514] : memref<10000x128xf32, #tpu.memory_space<vmem_shared>> -> memref<80x128xf32, #tpu.memory_space<vmem_shared>>
      %dma_wait3A_516 = arith.constant 0 : i32
      %dma_wait3A_517 = tpu.memref_slice %arg7[%add3A_24, %dma_wait3A_516] : memref<10000x128xf32, #tpu.memory_space<vmem_shared>> -> memref<80x128xf32, #tpu.memory_space<vmem_shared>>
      %dma_wait3A_518 = arith.constant 0 : i32
      %dma_wait3A_519 = arith.constant 0 : i32
      %dma_wait3A_520 = tpu.memref_slice %arg6[%run_scoped3A_25, %dma_wait3A_518, %dma_wait3A_519] : memref<4x80x128xf32, #tpu.memory_space<vmem>> -> memref<1x80x128xf32, #tpu.memory_space<vmem>>
      %dma_wait3A_521 = tpu.memref_squeeze %dma_wait3A_520 : memref<1x80x128xf32, #tpu.memory_space<vmem>> -> memref<80x128xf32, #tpu.memory_space<vmem>>
      tpu.wait_dma2 semaphore(%run_scoped3A_497 : memref<!tpu.dma_semaphore, #tpu.memory_space<semaphore_mem>>) src(%dma_wait3A_521 : memref<80x128xf32, #tpu.memory_space<vmem>>) dst(%dma_wait3A_517 : memref<80x128xf32, #tpu.memory_space<vmem_shared>>)
      tpu.yield
    }) : () -> ()
    %mul3A_26 = arith.constant 625 : i32
    %mul3A_27 = arith.muli %arg1, %mul3A_26 : i32
    %add3A_28 = arith.constant 320 : i32
    %add3A_29 = arith.addi %mul3A_27, %add3A_28 : i32
    %run_scoped3A_30 = arith.constant 0 : i32
    "tpu.region"() ({
      %run_scoped3A_497 = tpu.sem_alloc : memref<!tpu.dma_semaphore, #tpu.memory_space<semaphore_mem>>
      %dma_start3A_498 = arith.constant 0 : i32
      %dma_start3A_499 = arith.constant 0 : i32
      %dma_start3A_500 = tpu.memref_slice %arg6[%run_scoped3A_30, %dma_start3A_498, %dma_start3A_499] : memref<4x80x128xf32, #tpu.memory_space<vmem>> -> memref<1x80x128xf32, #tpu.memory_space<vmem>>
      %dma_start3A_501 = tpu.memref_squeeze %dma_start3A_500 : memref<1x80x128xf32, #tpu.memory_space<vmem>> -> memref<80x128xf32, #tpu.memory_space<vmem>>
      %dma_start3A_502 = arith.constant 0 : i32
      %dma_start3A_503 = tpu.memref_slice %arg7[%add3A_29, %dma_start3A_502] : memref<10000x128xf32, #tpu.memory_space<vmem_shared>> -> memref<80x128xf32, #tpu.memory_space<vmem_shared>>
      %dma_start3A_504 = arith.constant 0 : i32
      %dma_start3A_505 = tpu.memref_slice %arg7[%add3A_29, %dma_start3A_504] : memref<10000x128xf32, #tpu.memory_space<vmem_shared>> -> memref<80x128xf32, #tpu.memory_space<vmem_shared>>
      %dma_start3A_506 = arith.constant 0 : i32
      %dma_start3A_507 = arith.constant 0 : i32
      %dma_start3A_508 = tpu.memref_slice %arg6[%run_scoped3A_30, %dma_start3A_506, %dma_start3A_507] : memref<4x80x128xf32, #tpu.memory_space<vmem>> -> memref<1x80x128xf32, #tpu.memory_space<vmem>>
      %dma_start3A_509 = tpu.memref_squeeze %dma_start3A_508 : memref<1x80x128xf32, #tpu.memory_space<vmem>> -> memref<80x128xf32, #tpu.memory_space<vmem>>
      tpu.enqueue_dma source(%dma_start3A_509 : memref<80x128xf32, #tpu.memory_space<vmem>>) target(%dma_start3A_505 : memref<80x128xf32, #tpu.memory_space<vmem_shared>>) target_semaphore(%run_scoped3A_497 : memref<!tpu.dma_semaphore, #tpu.memory_space<semaphore_mem>>)
      %dma_wait3A_510 = arith.constant 0 : i32
      %dma_wait3A_511 = arith.constant 0 : i32
      %dma_wait3A_512 = tpu.memref_slice %arg6[%run_scoped3A_30, %dma_wait3A_510, %dma_wait3A_511] : memref<4x80x128xf32, #tpu.memory_space<vmem>> -> memref<1x80x128xf32, #tpu.memory_space<vmem>>
      %dma_wait3A_513 = tpu.memref_squeeze %dma_wait3A_512 : memref<1x80x128xf32, #tpu.memory_space<vmem>> -> memref<80x128xf32, #tpu.memory_space<vmem>>
      %dma_wait3A_514 = arith.constant 0 : i32
      %dma_wait3A_515 = tpu.memref_slice %arg7[%add3A_29, %dma_wait3A_514] : memref<10000x128xf32, #tpu.memory_space<vmem_shared>> -> memref<80x128xf32, #tpu.memory_space<vmem_shared>>
      %dma_wait3A_516 = arith.constant 0 : i32
      %dma_wait3A_517 = tpu.memref_slice %arg7[%add3A_29, %dma_wait3A_516] : memref<10000x128xf32, #tpu.memory_space<vmem_shared>> -> memref<80x128xf32, #tpu.memory_space<vmem_shared>>
      %dma_wait3A_518 = arith.constant 0 : i32
      %dma_wait3A_519 = arith.constant 0 : i32
      %dma_wait3A_520 = tpu.memref_slice %arg6[%run_scoped3A_30, %dma_wait3A_518, %dma_wait3A_519] : memref<4x80x128xf32, #tpu.memory_space<vmem>> -> memref<1x80x128xf32, #tpu.memory_space<vmem>>
      %dma_wait3A_521 = tpu.memref_squeeze %dma_wait3A_520 : memref<1x80x128xf32, #tpu.memory_space<vmem>> -> memref<80x128xf32, #tpu.memory_space<vmem>>
      tpu.wait_dma2 semaphore(%run_scoped3A_497 : memref<!tpu.dma_semaphore, #tpu.memory_space<semaphore_mem>>) src(%dma_wait3A_521 : memref<80x128xf32, #tpu.memory_space<vmem>>) dst(%dma_wait3A_517 : memref<80x128xf32, #tpu.memory_space<vmem_shared>>)
      tpu.yield
    }) : () -> ()
    %mul3A_31 = arith.constant 625 : i32
    %mul3A_32 = arith.muli %arg1, %mul3A_31 : i32
    %add3A_33 = arith.constant 400 : i32
    %add3A_34 = arith.addi %mul3A_32, %add3A_33 : i32
    %run_scoped3A_35 = arith.constant 0 : i32
    "tpu.region"() ({
      %run_scoped3A_497 = tpu.sem_alloc : memref<!tpu.dma_semaphore, #tpu.memory_space<semaphore_mem>>
      %dma_start3A_498 = arith.constant 0 : i32
      %dma_start3A_499 = arith.constant 0 : i32
      %dma_start3A_500 = tpu.memref_slice %arg6[%run_scoped3A_35, %dma_start3A_498, %dma_start3A_499] : memref<4x80x128xf32, #tpu.memory_space<vmem>> -> memref<1x80x128xf32, #tpu.memory_space<vmem>>
      %dma_start3A_501 = tpu.memref_squeeze %dma_start3A_500 : memref<1x80x128xf32, #tpu.memory_space<vmem>> -> memref<80x128xf32, #tpu.memory_space<vmem>>
      %dma_start3A_502 = arith.constant 0 : i32
      %dma_start3A_503 = tpu.memref_slice %arg7[%add3A_34, %dma_start3A_502] : memref<10000x128xf32, #tpu.memory_space<vmem_shared>> -> memref<80x128xf32, #tpu.memory_space<vmem_shared>>
      %dma_start3A_504 = arith.constant 0 : i32
      %dma_start3A_505 = tpu.memref_slice %arg7[%add3A_34, %dma_start3A_504] : memref<10000x128xf32, #tpu.memory_space<vmem_shared>> -> memref<80x128xf32, #tpu.memory_space<vmem_shared>>
      %dma_start3A_506 = arith.constant 0 : i32
      %dma_start3A_507 = arith.constant 0 : i32
      %dma_start3A_508 = tpu.memref_slice %arg6[%run_scoped3A_35, %dma_start3A_506, %dma_start3A_507] : memref<4x80x128xf32, #tpu.memory_space<vmem>> -> memref<1x80x128xf32, #tpu.memory_space<vmem>>
      %dma_start3A_509 = tpu.memref_squeeze %dma_start3A_508 : memref<1x80x128xf32, #tpu.memory_space<vmem>> -> memref<80x128xf32, #tpu.memory_space<vmem>>
      tpu.enqueue_dma source(%dma_start3A_509 : memref<80x128xf32, #tpu.memory_space<vmem>>) target(%dma_start3A_505 : memref<80x128xf32, #tpu.memory_space<vmem_shared>>) target_semaphore(%run_scoped3A_497 : memref<!tpu.dma_semaphore, #tpu.memory_space<semaphore_mem>>)
      %dma_wait3A_510 = arith.constant 0 : i32
      %dma_wait3A_511 = arith.constant 0 : i32
      %dma_wait3A_512 = tpu.memref_slice %arg6[%run_scoped3A_35, %dma_wait3A_510, %dma_wait3A_511] : memref<4x80x128xf32, #tpu.memory_space<vmem>> -> memref<1x80x128xf32, #tpu.memory_space<vmem>>
      %dma_wait3A_513 = tpu.memref_squeeze %dma_wait3A_512 : memref<1x80x128xf32, #tpu.memory_space<vmem>> -> memref<80x128xf32, #tpu.memory_space<vmem>>
      %dma_wait3A_514 = arith.constant 0 : i32
      %dma_wait3A_515 = tpu.memref_slice %arg7[%add3A_34, %dma_wait3A_514] : memref<10000x128xf32, #tpu.memory_space<vmem_shared>> -> memref<80x128xf32, #tpu.memory_space<vmem_shared>>
      %dma_wait3A_516 = arith.constant 0 : i32
      %dma_wait3A_517 = tpu.memref_slice %arg7[%add3A_34, %dma_wait3A_516] : memref<10000x128xf32, #tpu.memory_space<vmem_shared>> -> memref<80x128xf32, #tpu.memory_space<vmem_shared>>
      %dma_wait3A_518 = arith.constant 0 : i32
      %dma_wait3A_519 = arith.constant 0 : i32
      %dma_wait3A_520 = tpu.memref_slice %arg6[%run_scoped3A_35, %dma_wait3A_518, %dma_wait3A_519] : memref<4x80x128xf32, #tpu.memory_space<vmem>> -> memref<1x80x128xf32, #tpu.memory_space<vmem>>
      %dma_wait3A_521 = tpu.memref_squeeze %dma_wait3A_520 : memref<1x80x128xf32, #tpu.memory_space<vmem>> -> memref<80x128xf32, #tpu.memory_space<vmem>>
      tpu.wait_dma2 semaphore(%run_scoped3A_497 : memref<!tpu.dma_semaphore, #tpu.memory_space<semaphore_mem>>) src(%dma_wait3A_521 : memref<80x128xf32, #tpu.memory_space<vmem>>) dst(%dma_wait3A_517 : memref<80x128xf32, #tpu.memory_space<vmem_shared>>)
      tpu.yield
    }) : () -> ()
    %mul3A_36 = arith.constant 625 : i32
    %mul3A_37 = arith.muli %arg1, %mul3A_36 : i32
    %add3A_38 = arith.constant 480 : i32
    %add3A_39 = arith.addi %mul3A_37, %add3A_38 : i32
    %run_scoped3A_40 = arith.constant 0 : i32
    "tpu.region"() ({
      %run_scoped3A_497 = tpu.sem_alloc : memref<!tpu.dma_semaphore, #tpu.memory_space<semaphore_mem>>
      %dma_start3A_498 = arith.constant 0 : i32
      %dma_start3A_499 = arith.constant 0 : i32
      %dma_start3A_500 = tpu.memref_slice %arg6[%run_scoped3A_40, %dma_start3A_498, %dma_start3A_499] : memref<4x80x128xf32, #tpu.memory_space<vmem>> -> memref<1x80x128xf32, #tpu.memory_space<vmem>>
      %dma_start3A_501 = tpu.memref_squeeze %dma_start3A_500 : memref<1x80x128xf32, #tpu.memory_space<vmem>> -> memref<80x128xf32, #tpu.memory_space<vmem>>
      %dma_start3A_502 = arith.constant 0 : i32
      %dma_start3A_503 = tpu.memref_slice %arg7[%add3A_39, %dma_start3A_502] : memref<10000x128xf32, #tpu.memory_space<vmem_shared>> -> memref<80x128xf32, #tpu.memory_space<vmem_shared>>
      %dma_start3A_504 = arith.constant 0 : i32
      %dma_start3A_505 = tpu.memref_slice %arg7[%add3A_39, %dma_start3A_504] : memref<10000x128xf32, #tpu.memory_space<vmem_shared>> -> memref<80x128xf32, #tpu.memory_space<vmem_shared>>
      %dma_start3A_506 = arith.constant 0 : i32
      %dma_start3A_507 = arith.constant 0 : i32
      %dma_start3A_508 = tpu.memref_slice %arg6[%run_scoped3A_40, %dma_start3A_506, %dma_start3A_507] : memref<4x80x128xf32, #tpu.memory_space<vmem>> -> memref<1x80x128xf32, #tpu.memory_space<vmem>>
      %dma_start3A_509 = tpu.memref_squeeze %dma_start3A_508 : memref<1x80x128xf32, #tpu.memory_space<vmem>> -> memref<80x128xf32, #tpu.memory_space<vmem>>
      tpu.enqueue_dma source(%dma_start3A_509 : memref<80x128xf32, #tpu.memory_space<vmem>>) target(%dma_start3A_505 : memref<80x128xf32, #tpu.memory_space<vmem_shared>>) target_semaphore(%run_scoped3A_497 : memref<!tpu.dma_semaphore, #tpu.memory_space<semaphore_mem>>)
      %dma_wait3A_510 = arith.constant 0 : i32
      %dma_wait3A_511 = arith.constant 0 : i32
      %dma_wait3A_512 = tpu.memref_slice %arg6[%run_scoped3A_40, %dma_wait3A_510, %dma_wait3A_511] : memref<4x80x128xf32, #tpu.memory_space<vmem>> -> memref<1x80x128xf32, #tpu.memory_space<vmem>>
      %dma_wait3A_513 = tpu.memref_squeeze %dma_wait3A_512 : memref<1x80x128xf32, #tpu.memory_space<vmem>> -> memref<80x128xf32, #tpu.memory_space<vmem>>
      %dma_wait3A_514 = arith.constant 0 : i32
      %dma_wait3A_515 = tpu.memref_slice %arg7[%add3A_39, %dma_wait3A_514] : memref<10000x128xf32, #tpu.memory_space<vmem_shared>> -> memref<80x128xf32, #tpu.memory_space<vmem_shared>>
      %dma_wait3A_516 = arith.constant 0 : i32
      %dma_wait3A_517 = tpu.memref_slice %arg7[%add3A_39, %dma_wait3A_516] : memref<10000x128xf32, #tpu.memory_space<vmem_shared>> -> memref<80x128xf32, #tpu.memory_space<vmem_shared>>
      %dma_wait3A_518 = arith.constant 0 : i32
      %dma_wait3A_519 = arith.constant 0 : i32
      %dma_wait3A_520 = tpu.memref_slice %arg6[%run_scoped3A_40, %dma_wait3A_518, %dma_wait3A_519] : memref<4x80x128xf32, #tpu.memory_space<vmem>> -> memref<1x80x128xf32, #tpu.memory_space<vmem>>
      %dma_wait3A_521 = tpu.memref_squeeze %dma_wait3A_520 : memref<1x80x128xf32, #tpu.memory_space<vmem>> -> memref<80x128xf32, #tpu.memory_space<vmem>>
      tpu.wait_dma2 semaphore(%run_scoped3A_497 : memref<!tpu.dma_semaphore, #tpu.memory_space<semaphore_mem>>) src(%dma_wait3A_521 : memref<80x128xf32, #tpu.memory_space<vmem>>) dst(%dma_wait3A_517 : memref<80x128xf32, #tpu.memory_space<vmem_shared>>)
      tpu.yield
    }) : () -> ()
    %mul3A_41 = arith.constant 625 : i32
    %mul3A_42 = arith.muli %arg1, %mul3A_41 : i32
    %add3A_43 = arith.constant 560 : i32
    %add3A_44 = arith.addi %mul3A_42, %add3A_43 : i32
    %run_scoped3A_45 = arith.constant 0 : i32
    "tpu.region"() ({
      %run_scoped3A_497 = tpu.sem_alloc : memref<!tpu.dma_semaphore, #tpu.memory_space<semaphore_mem>>
      %dma_start3A_498 = arith.constant 0 : i32
      %dma_start3A_499 = arith.constant 0 : i32
      %dma_start3A_500 = tpu.memref_slice %arg6[%run_scoped3A_45, %dma_start3A_498, %dma_start3A_499] : memref<4x80x128xf32, #tpu.memory_space<vmem>> -> memref<1x65x128xf32, #tpu.memory_space<vmem>>
      %dma_start3A_501 = tpu.memref_squeeze %dma_start3A_500 : memref<1x65x128xf32, #tpu.memory_space<vmem>> -> memref<65x128xf32, #tpu.memory_space<vmem>>
      %dma_start3A_502 = arith.constant 0 : i32
      %dma_start3A_503 = tpu.memref_slice %arg7[%add3A_44, %dma_start3A_502] : memref<10000x128xf32, #tpu.memory_space<vmem_shared>> -> memref<65x128xf32, #tpu.memory_space<vmem_shared>>
      %dma_start3A_504 = arith.constant 0 : i32
      %dma_start3A_505 = tpu.memref_slice %arg7[%add3A_44, %dma_start3A_504] : memref<10000x128xf32, #tpu.memory_space<vmem_shared>> -> memref<65x128xf32, #tpu.memory_space<vmem_shared>>
      %dma_start3A_506 = arith.constant 0 : i32
      %dma_start3A_507 = arith.constant 0 : i32
      %dma_start3A_508 = tpu.memref_slice %arg6[%run_scoped3A_45, %dma_start3A_506, %dma_start3A_507] : memref<4x80x128xf32, #tpu.memory_space<vmem>> -> memref<1x65x128xf32, #tpu.memory_space<vmem>>
      %dma_start3A_509 = tpu.memref_squeeze %dma_start3A_508 : memref<1x65x128xf32, #tpu.memory_space<vmem>> -> memref<65x128xf32, #tpu.memory_space<vmem>>
      tpu.enqueue_dma source(%dma_start3A_509 : memref<65x128xf32, #tpu.memory_space<vmem>>) target(%dma_start3A_505 : memref<65x128xf32, #tpu.memory_space<vmem_shared>>) target_semaphore(%run_scoped3A_497 : memref<!tpu.dma_semaphore, #tpu.memory_space<semaphore_mem>>)
      %dma_wait3A_510 = arith.constant 0 : i32
      %dma_wait3A_511 = arith.constant 0 : i32
      %dma_wait3A_512 = tpu.memref_slice %arg6[%run_scoped3A_45, %dma_wait3A_510, %dma_wait3A_511] : memref<4x80x128xf32, #tpu.memory_space<vmem>> -> memref<1x65x128xf32, #tpu.memory_space<vmem>>
      %dma_wait3A_513 = tpu.memref_squeeze %dma_wait3A_512 : memref<1x65x128xf32, #tpu.memory_space<vmem>> -> memref<65x128xf32, #tpu.memory_space<vmem>>
      %dma_wait3A_514 = arith.constant 0 : i32
      %dma_wait3A_515 = tpu.memref_slice %arg7[%add3A_44, %dma_wait3A_514] : memref<10000x128xf32, #tpu.memory_space<vmem_shared>> -> memref<65x128xf32, #tpu.memory_space<vmem_shared>>
      %dma_wait3A_516 = arith.constant 0 : i32
      %dma_wait3A_517 = tpu.memref_slice %arg7[%add3A_44, %dma_wait3A_516] : memref<10000x128xf32, #tpu.memory_space<vmem_shared>> -> memref<65x128xf32, #tpu.memory_space<vmem_shared>>
      %dma_wait3A_518 = arith.constant 0 : i32
      %dma_wait3A_519 = arith.constant 0 : i32
      %dma_wait3A_520 = tpu.memref_slice %arg6[%run_scoped3A_45, %dma_wait3A_518, %dma_wait3A_519] : memref<4x80x128xf32, #tpu.memory_space<vmem>> -> memref<1x65x128xf32, #tpu.memory_space<vmem>>
      %dma_wait3A_521 = tpu.memref_squeeze %dma_wait3A_520 : memref<1x65x128xf32, #tpu.memory_space<vmem>> -> memref<65x128xf32, #tpu.memory_space<vmem>>
      tpu.wait_dma2 semaphore(%run_scoped3A_497 : memref<!tpu.dma_semaphore, #tpu.memory_space<semaphore_mem>>) src(%dma_wait3A_521 : memref<65x128xf32, #tpu.memory_space<vmem>>) dst(%dma_wait3A_517 : memref<65x128xf32, #tpu.memory_space<vmem_shared>>)
      tpu.yield
    }) : () -> ()
    %barrier3A = arith.constant 0 : index
    tpu.barrier barrier_id(%barrier3A)
    %dma_start3A = arith.constant 0 : i32
    %dma_start3A_46 = arith.constant 0 : i32
    %dma_start3A_47 = arith.constant 0 : i32
    %dma_start3A_48 = arith.constant 0 : i32
    %dma_start3A_49 = tpu.memref_slice %arg5[%dma_start3A_46, %dma_start3A_47, %dma_start3A_48] : memref<4x2x80xi32, #tpu.memory_space<vmem>> -> memref<1x2x80xi32, #tpu.memory_space<vmem>>
    %dma_start3A_50 = tpu.memref_squeeze %dma_start3A_49 : memref<1x2x80xi32, #tpu.memory_space<vmem>> -> memref<2x80xi32, #tpu.memory_space<vmem>>
    %dma_start3A_51 = arith.constant 0 : i32
    %dma_start3A_52 = arith.constant 0 : i32
    %dma_start3A_53 = tpu.memref_slice %arg3[%add3A, %dma_start3A, %dma_start3A_51, %dma_start3A_52] : memref<32x125x2x80xi32, #tpu.memory_space<hbm>> -> memref<1x1x2x80xi32, #tpu.memory_space<hbm>>
    %dma_start3A_54 = tpu.memref_squeeze %dma_start3A_53 : memref<1x1x2x80xi32, #tpu.memory_space<hbm>> -> memref<2x80xi32, #tpu.memory_space<hbm>>
    %dma_start3A_55 = arith.constant 0 : i32
    %dma_start3A_56 = arith.constant 0 : i32
    %dma_start3A_57 = tpu.memref_slice %arg5[%dma_start3A_46, %dma_start3A_55, %dma_start3A_56] : memref<4x2x80xi32, #tpu.memory_space<vmem>> -> memref<1x2x80xi32, #tpu.memory_space<vmem>>
    %dma_start3A_58 = tpu.memref_squeeze %dma_start3A_57 : memref<1x2x80xi32, #tpu.memory_space<vmem>> -> memref<2x80xi32, #tpu.memory_space<vmem>>
    %dma_start3A_59 = arith.constant 0 : i32
    %dma_start3A_60 = arith.constant 0 : i32
    %dma_start3A_61 = tpu.memref_slice %arg3[%add3A, %dma_start3A, %dma_start3A_59, %dma_start3A_60] : memref<32x125x2x80xi32, #tpu.memory_space<hbm>> -> memref<1x1x2x80xi32, #tpu.memory_space<hbm>>
    %dma_start3A_62 = tpu.memref_squeeze %dma_start3A_61 : memref<1x1x2x80xi32, #tpu.memory_space<hbm>> -> memref<2x80xi32, #tpu.memory_space<hbm>>
    tpu.enqueue_dma source(%dma_start3A_62 : memref<2x80xi32, #tpu.memory_space<hbm>>) target(%dma_start3A_58 : memref<2x80xi32, #tpu.memory_space<vmem>>) target_semaphore(%arg8 : memref<!tpu.dma_semaphore, #tpu.memory_space<semaphore_mem>>)
    %dma_start3A_63 = arith.constant 1 : i32
    %dma_start3A_64 = arith.constant 1 : i32
    %dma_start3A_65 = arith.constant 0 : i32
    %dma_start3A_66 = arith.constant 0 : i32
    %dma_start3A_67 = tpu.memref_slice %arg5[%dma_start3A_64, %dma_start3A_65, %dma_start3A_66] : memref<4x2x80xi32, #tpu.memory_space<vmem>> -> memref<1x2x80xi32, #tpu.memory_space<vmem>>
    %dma_start3A_68 = tpu.memref_squeeze %dma_start3A_67 : memref<1x2x80xi32, #tpu.memory_space<vmem>> -> memref<2x80xi32, #tpu.memory_space<vmem>>
    %dma_start3A_69 = arith.constant 0 : i32
    %dma_start3A_70 = arith.constant 0 : i32
    %dma_start3A_71 = tpu.memref_slice %arg3[%add3A, %dma_start3A_63, %dma_start3A_69, %dma_start3A_70] : memref<32x125x2x80xi32, #tpu.memory_space<hbm>> -> memref<1x1x2x80xi32, #tpu.memory_space<hbm>>
    %dma_start3A_72 = tpu.memref_squeeze %dma_start3A_71 : memref<1x1x2x80xi32, #tpu.memory_space<hbm>> -> memref<2x80xi32, #tpu.memory_space<hbm>>
    %dma_start3A_73 = arith.constant 0 : i32
    %dma_start3A_74 = arith.constant 0 : i32
    %dma_start3A_75 = tpu.memref_slice %arg5[%dma_start3A_64, %dma_start3A_73, %dma_start3A_74] : memref<4x2x80xi32, #tpu.memory_space<vmem>> -> memref<1x2x80xi32, #tpu.memory_space<vmem>>
    %dma_start3A_76 = tpu.memref_squeeze %dma_start3A_75 : memref<1x2x80xi32, #tpu.memory_space<vmem>> -> memref<2x80xi32, #tpu.memory_space<vmem>>
    %dma_start3A_77 = arith.constant 0 : i32
    %dma_start3A_78 = arith.constant 0 : i32
    %dma_start3A_79 = tpu.memref_slice %arg3[%add3A, %dma_start3A_63, %dma_start3A_77, %dma_start3A_78] : memref<32x125x2x80xi32, #tpu.memory_space<hbm>> -> memref<1x1x2x80xi32, #tpu.memory_space<hbm>>
    %dma_start3A_80 = tpu.memref_squeeze %dma_start3A_79 : memref<1x1x2x80xi32, #tpu.memory_space<hbm>> -> memref<2x80xi32, #tpu.memory_space<hbm>>
    tpu.enqueue_dma source(%dma_start3A_80 : memref<2x80xi32, #tpu.memory_space<hbm>>) target(%dma_start3A_76 : memref<2x80xi32, #tpu.memory_space<vmem>>) target_semaphore(%arg9 : memref<!tpu.dma_semaphore, #tpu.memory_space<semaphore_mem>>)
    %dma_start3A_81 = arith.constant 2 : i32
    %dma_start3A_82 = arith.constant 2 : i32
    %dma_start3A_83 = arith.constant 0 : i32
    %dma_start3A_84 = arith.constant 0 : i32
    %dma_start3A_85 = tpu.memref_slice %arg5[%dma_start3A_82, %dma_start3A_83, %dma_start3A_84] : memref<4x2x80xi32, #tpu.memory_space<vmem>> -> memref<1x2x80xi32, #tpu.memory_space<vmem>>
    %dma_start3A_86 = tpu.memref_squeeze %dma_start3A_85 : memref<1x2x80xi32, #tpu.memory_space<vmem>> -> memref<2x80xi32, #tpu.memory_space<vmem>>
    %dma_start3A_87 = arith.constant 0 : i32
    %dma_start3A_88 = arith.constant 0 : i32
    %dma_start3A_89 = tpu.memref_slice %arg3[%add3A, %dma_start3A_81, %dma_start3A_87, %dma_start3A_88] : memref<32x125x2x80xi32, #tpu.memory_space<hbm>> -> memref<1x1x2x80xi32, #tpu.memory_space<hbm>>
    %dma_start3A_90 = tpu.memref_squeeze %dma_start3A_89 : memref<1x1x2x80xi32, #tpu.memory_space<hbm>> -> memref<2x80xi32, #tpu.memory_space<hbm>>
    %dma_start3A_91 = arith.constant 0 : i32
    %dma_start3A_92 = arith.constant 0 : i32
    %dma_start3A_93 = tpu.memref_slice %arg5[%dma_start3A_82, %dma_start3A_91, %dma_start3A_92] : memref<4x2x80xi32, #tpu.memory_space<vmem>> -> memref<1x2x80xi32, #tpu.memory_space<vmem>>
    %dma_start3A_94 = tpu.memref_squeeze %dma_start3A_93 : memref<1x2x80xi32, #tpu.memory_space<vmem>> -> memref<2x80xi32, #tpu.memory_space<vmem>>
    %dma_start3A_95 = arith.constant 0 : i32
    %dma_start3A_96 = arith.constant 0 : i32
    %dma_start3A_97 = tpu.memref_slice %arg3[%add3A, %dma_start3A_81, %dma_start3A_95, %dma_start3A_96] : memref<32x125x2x80xi32, #tpu.memory_space<hbm>> -> memref<1x1x2x80xi32, #tpu.memory_space<hbm>>
    %dma_start3A_98 = tpu.memref_squeeze %dma_start3A_97 : memref<1x1x2x80xi32, #tpu.memory_space<hbm>> -> memref<2x80xi32, #tpu.memory_space<hbm>>
    tpu.enqueue_dma source(%dma_start3A_98 : memref<2x80xi32, #tpu.memory_space<hbm>>) target(%dma_start3A_94 : memref<2x80xi32, #tpu.memory_space<vmem>>) target_semaphore(%arg10 : memref<!tpu.dma_semaphore, #tpu.memory_space<semaphore_mem>>)
    %dma_start3A_99 = arith.constant 3 : i32
    %dma_start3A_100 = arith.constant 3 : i32
    %dma_start3A_101 = arith.constant 0 : i32
    %dma_start3A_102 = arith.constant 0 : i32
    %dma_start3A_103 = tpu.memref_slice %arg5[%dma_start3A_100, %dma_start3A_101, %dma_start3A_102] : memref<4x2x80xi32, #tpu.memory_space<vmem>> -> memref<1x2x80xi32, #tpu.memory_space<vmem>>
    %dma_start3A_104 = tpu.memref_squeeze %dma_start3A_103 : memref<1x2x80xi32, #tpu.memory_space<vmem>> -> memref<2x80xi32, #tpu.memory_space<vmem>>
    %dma_start3A_105 = arith.constant 0 : i32
    %dma_start3A_106 = arith.constant 0 : i32
    %dma_start3A_107 = tpu.memref_slice %arg3[%add3A, %dma_start3A_99, %dma_start3A_105, %dma_start3A_106] : memref<32x125x2x80xi32, #tpu.memory_space<hbm>> -> memref<1x1x2x80xi32, #tpu.memory_space<hbm>>
    %dma_start3A_108 = tpu.memref_squeeze %dma_start3A_107 : memref<1x1x2x80xi32, #tpu.memory_space<hbm>> -> memref<2x80xi32, #tpu.memory_space<hbm>>
    %dma_start3A_109 = arith.constant 0 : i32
    %dma_start3A_110 = arith.constant 0 : i32
    %dma_start3A_111 = tpu.memref_slice %arg5[%dma_start3A_100, %dma_start3A_109, %dma_start3A_110] : memref<4x2x80xi32, #tpu.memory_space<vmem>> -> memref<1x2x80xi32, #tpu.memory_space<vmem>>
    %dma_start3A_112 = tpu.memref_squeeze %dma_start3A_111 : memref<1x2x80xi32, #tpu.memory_space<vmem>> -> memref<2x80xi32, #tpu.memory_space<vmem>>
    %dma_start3A_113 = arith.constant 0 : i32
    %dma_start3A_114 = arith.constant 0 : i32
    %dma_start3A_115 = tpu.memref_slice %arg3[%add3A, %dma_start3A_99, %dma_start3A_113, %dma_start3A_114] : memref<32x125x2x80xi32, #tpu.memory_space<hbm>> -> memref<1x1x2x80xi32, #tpu.memory_space<hbm>>
    %dma_start3A_116 = tpu.memref_squeeze %dma_start3A_115 : memref<1x1x2x80xi32, #tpu.memory_space<hbm>> -> memref<2x80xi32, #tpu.memory_space<hbm>>
    tpu.enqueue_dma source(%dma_start3A_116 : memref<2x80xi32, #tpu.memory_space<hbm>>) target(%dma_start3A_112 : memref<2x80xi32, #tpu.memory_space<vmem>>) target_semaphore(%arg11 : memref<!tpu.dma_semaphore, #tpu.memory_space<semaphore_mem>>)
    %dma_wait3A = arith.constant 0 : i32
    %dma_wait3A_117 = arith.constant 0 : i32
    %dma_wait3A_118 = arith.constant 0 : i32
    %dma_wait3A_119 = arith.constant 0 : i32
    %dma_wait3A_120 = tpu.memref_slice %arg5[%dma_wait3A_117, %dma_wait3A_118, %dma_wait3A_119] : memref<4x2x80xi32, #tpu.memory_space<vmem>> -> memref<1x2x80xi32, #tpu.memory_space<vmem>>
    %dma_wait3A_121 = tpu.memref_squeeze %dma_wait3A_120 : memref<1x2x80xi32, #tpu.memory_space<vmem>> -> memref<2x80xi32, #tpu.memory_space<vmem>>
    %dma_wait3A_122 = arith.constant 0 : i32
    %dma_wait3A_123 = arith.constant 0 : i32
    %dma_wait3A_124 = tpu.memref_slice %arg3[%add3A, %dma_wait3A, %dma_wait3A_122, %dma_wait3A_123] : memref<32x125x2x80xi32, #tpu.memory_space<hbm>> -> memref<1x1x2x80xi32, #tpu.memory_space<hbm>>
    %dma_wait3A_125 = tpu.memref_squeeze %dma_wait3A_124 : memref<1x1x2x80xi32, #tpu.memory_space<hbm>> -> memref<2x80xi32, #tpu.memory_space<hbm>>
    %dma_wait3A_126 = arith.constant 0 : i32
    %dma_wait3A_127 = arith.constant 0 : i32
    %dma_wait3A_128 = tpu.memref_slice %arg5[%dma_wait3A_117, %dma_wait3A_126, %dma_wait3A_127] : memref<4x2x80xi32, #tpu.memory_space<vmem>> -> memref<1x2x80xi32, #tpu.memory_space<vmem>>
    %dma_wait3A_129 = tpu.memref_squeeze %dma_wait3A_128 : memref<1x2x80xi32, #tpu.memory_space<vmem>> -> memref<2x80xi32, #tpu.memory_space<vmem>>
    %dma_wait3A_130 = arith.constant 0 : i32
    %dma_wait3A_131 = arith.constant 0 : i32
    %dma_wait3A_132 = tpu.memref_slice %arg3[%add3A, %dma_wait3A, %dma_wait3A_130, %dma_wait3A_131] : memref<32x125x2x80xi32, #tpu.memory_space<hbm>> -> memref<1x1x2x80xi32, #tpu.memory_space<hbm>>
    %dma_wait3A_133 = tpu.memref_squeeze %dma_wait3A_132 : memref<1x1x2x80xi32, #tpu.memory_space<hbm>> -> memref<2x80xi32, #tpu.memory_space<hbm>>
    tpu.wait_dma2 semaphore(%arg8 : memref<!tpu.dma_semaphore, #tpu.memory_space<semaphore_mem>>) src(%dma_wait3A_133 : memref<2x80xi32, #tpu.memory_space<hbm>>) dst(%dma_wait3A_129 : memref<2x80xi32, #tpu.memory_space<vmem>>)
    %dma_start3A_134 = arith.constant 0 : i32
    %dma_start3A_135 = arith.constant 0 : i32
    %dma_start3A_136 = arith.constant 0 : i32
    %dma_start3A_137 = arith.constant 0 : i32
    %dma_start3A_138 = arith.constant 0 : i32
    %dma_start3A_139 = tpu.memref_slice %arg6[%dma_start3A_136, %dma_start3A_137, %dma_start3A_138] : memref<4x80x128xf32, #tpu.memory_space<vmem>> -> memref<1x80x128xf32, #tpu.memory_space<vmem>>
    %dma_start3A_140 = tpu.memref_squeeze %dma_start3A_139 : memref<1x80x128xf32, #tpu.memory_space<vmem>> -> memref<80x128xf32, #tpu.memory_space<vmem>>
    %dma_start3A_141 = arith.constant 0 : i32
    %dma_start3A_142 = tpu.memref_slice %arg5[%dma_start3A_134, %dma_start3A_135, %dma_start3A_141] : memref<4x2x80xi32, #tpu.memory_space<vmem>> -> memref<1x1x80xi32, #tpu.memory_space<vmem>>
    %dma_start3A_143 = tpu.memref_squeeze %dma_start3A_142 : memref<1x1x80xi32, #tpu.memory_space<vmem>> -> memref<80xi32, #tpu.memory_space<vmem>>
    %dma_start3A_144 = arith.constant 0 : i32
    %dma_start3A_145 = arith.constant 0 : i32
    %dma_start3A_146 = tpu.memref_slice %arg2[%dma_start3A_144, %dma_start3A_145] : memref<20000x128xf32, #tpu.memory_space<hbm>> -> memref<20000x128xf32, #tpu.memory_space<hbm>>
    tpu.enqueue_indirect_dma source(%dma_start3A_146 : memref<20000x128xf32, #tpu.memory_space<hbm>>) target(%dma_start3A_140 : memref<80x128xf32, #tpu.memory_space<vmem>>) offsets(%dma_start3A_143 : memref<80xi32, #tpu.memory_space<vmem>>) semaphore(%arg12 : memref<!tpu.dma_semaphore, #tpu.memory_space<semaphore_mem>>)
    %dma_wait3A_147 = arith.constant 0 : i32
    %dma_wait3A_148 = arith.constant 1 : i32
    %dma_wait3A_149 = arith.constant 0 : i32
    %dma_wait3A_150 = arith.constant 0 : i32
    %dma_wait3A_151 = tpu.memref_slice %arg5[%dma_wait3A_148, %dma_wait3A_149, %dma_wait3A_150] : memref<4x2x80xi32, #tpu.memory_space<vmem>> -> memref<1x2x80xi32, #tpu.memory_space<vmem>>
    %dma_wait3A_152 = tpu.memref_squeeze %dma_wait3A_151 : memref<1x2x80xi32, #tpu.memory_space<vmem>> -> memref<2x80xi32, #tpu.memory_space<vmem>>
    %dma_wait3A_153 = arith.constant 0 : i32
    %dma_wait3A_154 = arith.constant 0 : i32
    %dma_wait3A_155 = tpu.memref_slice %arg3[%add3A, %dma_wait3A_147, %dma_wait3A_153, %dma_wait3A_154] : memref<32x125x2x80xi32, #tpu.memory_space<hbm>> -> memref<1x1x2x80xi32, #tpu.memory_space<hbm>>
    %dma_wait3A_156 = tpu.memref_squeeze %dma_wait3A_155 : memref<1x1x2x80xi32, #tpu.memory_space<hbm>> -> memref<2x80xi32, #tpu.memory_space<hbm>>
    %dma_wait3A_157 = arith.constant 0 : i32
    %dma_wait3A_158 = arith.constant 0 : i32
    %dma_wait3A_159 = tpu.memref_slice %arg5[%dma_wait3A_148, %dma_wait3A_157, %dma_wait3A_158] : memref<4x2x80xi32, #tpu.memory_space<vmem>> -> memref<1x2x80xi32, #tpu.memory_space<vmem>>
    %dma_wait3A_160 = tpu.memref_squeeze %dma_wait3A_159 : memref<1x2x80xi32, #tpu.memory_space<vmem>> -> memref<2x80xi32, #tpu.memory_space<vmem>>
    %dma_wait3A_161 = arith.constant 0 : i32
    %dma_wait3A_162 = arith.constant 0 : i32
    %dma_wait3A_163 = tpu.memref_slice %arg3[%add3A, %dma_wait3A_147, %dma_wait3A_161, %dma_wait3A_162] : memref<32x125x2x80xi32, #tpu.memory_space<hbm>> -> memref<1x1x2x80xi32, #tpu.memory_space<hbm>>
    %dma_wait3A_164 = tpu.memref_squeeze %dma_wait3A_163 : memref<1x1x2x80xi32, #tpu.memory_space<hbm>> -> memref<2x80xi32, #tpu.memory_space<hbm>>
    tpu.wait_dma2 semaphore(%arg9 : memref<!tpu.dma_semaphore, #tpu.memory_space<semaphore_mem>>) src(%dma_wait3A_164 : memref<2x80xi32, #tpu.memory_space<hbm>>) dst(%dma_wait3A_160 : memref<2x80xi32, #tpu.memory_space<vmem>>)
    %dma_start3A_165 = arith.constant 1 : i32
    %dma_start3A_166 = arith.constant 0 : i32
    %dma_start3A_167 = arith.constant 1 : i32
    %dma_start3A_168 = arith.constant 0 : i32
    %dma_start3A_169 = arith.constant 0 : i32
    %dma_start3A_170 = tpu.memref_slice %arg6[%dma_start3A_167, %dma_start3A_168, %dma_start3A_169] : memref<4x80x128xf32, #tpu.memory_space<vmem>> -> memref<1x80x128xf32, #tpu.memory_space<vmem>>
    %dma_start3A_171 = tpu.memref_squeeze %dma_start3A_170 : memref<1x80x128xf32, #tpu.memory_space<vmem>> -> memref<80x128xf32, #tpu.memory_space<vmem>>
    %dma_start3A_172 = arith.constant 0 : i32
    %dma_start3A_173 = tpu.memref_slice %arg5[%dma_start3A_165, %dma_start3A_166, %dma_start3A_172] : memref<4x2x80xi32, #tpu.memory_space<vmem>> -> memref<1x1x80xi32, #tpu.memory_space<vmem>>
    %dma_start3A_174 = tpu.memref_squeeze %dma_start3A_173 : memref<1x1x80xi32, #tpu.memory_space<vmem>> -> memref<80xi32, #tpu.memory_space<vmem>>
    %dma_start3A_175 = arith.constant 0 : i32
    %dma_start3A_176 = arith.constant 0 : i32
    %dma_start3A_177 = tpu.memref_slice %arg2[%dma_start3A_175, %dma_start3A_176] : memref<20000x128xf32, #tpu.memory_space<hbm>> -> memref<20000x128xf32, #tpu.memory_space<hbm>>
    tpu.enqueue_indirect_dma source(%dma_start3A_177 : memref<20000x128xf32, #tpu.memory_space<hbm>>) target(%dma_start3A_171 : memref<80x128xf32, #tpu.memory_space<vmem>>) offsets(%dma_start3A_174 : memref<80xi32, #tpu.memory_space<vmem>>) semaphore(%arg13 : memref<!tpu.dma_semaphore, #tpu.memory_space<semaphore_mem>>)
    %dma_wait3A_178 = arith.constant 0 : i32
    %dma_wait3A_179 = arith.constant 2 : i32
    %dma_wait3A_180 = arith.constant 0 : i32
    %dma_wait3A_181 = arith.constant 0 : i32
    %dma_wait3A_182 = tpu.memref_slice %arg5[%dma_wait3A_179, %dma_wait3A_180, %dma_wait3A_181] : memref<4x2x80xi32, #tpu.memory_space<vmem>> -> memref<1x2x80xi32, #tpu.memory_space<vmem>>
    %dma_wait3A_183 = tpu.memref_squeeze %dma_wait3A_182 : memref<1x2x80xi32, #tpu.memory_space<vmem>> -> memref<2x80xi32, #tpu.memory_space<vmem>>
    %dma_wait3A_184 = arith.constant 0 : i32
    %dma_wait3A_185 = arith.constant 0 : i32
    %dma_wait3A_186 = tpu.memref_slice %arg3[%add3A, %dma_wait3A_178, %dma_wait3A_184, %dma_wait3A_185] : memref<32x125x2x80xi32, #tpu.memory_space<hbm>> -> memref<1x1x2x80xi32, #tpu.memory_space<hbm>>
    %dma_wait3A_187 = tpu.memref_squeeze %dma_wait3A_186 : memref<1x1x2x80xi32, #tpu.memory_space<hbm>> -> memref<2x80xi32, #tpu.memory_space<hbm>>
    %dma_wait3A_188 = arith.constant 0 : i32
    %dma_wait3A_189 = arith.constant 0 : i32
    %dma_wait3A_190 = tpu.memref_slice %arg5[%dma_wait3A_179, %dma_wait3A_188, %dma_wait3A_189] : memref<4x2x80xi32, #tpu.memory_space<vmem>> -> memref<1x2x80xi32, #tpu.memory_space<vmem>>
    %dma_wait3A_191 = tpu.memref_squeeze %dma_wait3A_190 : memref<1x2x80xi32, #tpu.memory_space<vmem>> -> memref<2x80xi32, #tpu.memory_space<vmem>>
    %dma_wait3A_192 = arith.constant 0 : i32
    %dma_wait3A_193 = arith.constant 0 : i32
    %dma_wait3A_194 = tpu.memref_slice %arg3[%add3A, %dma_wait3A_178, %dma_wait3A_192, %dma_wait3A_193] : memref<32x125x2x80xi32, #tpu.memory_space<hbm>> -> memref<1x1x2x80xi32, #tpu.memory_space<hbm>>
    %dma_wait3A_195 = tpu.memref_squeeze %dma_wait3A_194 : memref<1x1x2x80xi32, #tpu.memory_space<hbm>> -> memref<2x80xi32, #tpu.memory_space<hbm>>
    tpu.wait_dma2 semaphore(%arg10 : memref<!tpu.dma_semaphore, #tpu.memory_space<semaphore_mem>>) src(%dma_wait3A_195 : memref<2x80xi32, #tpu.memory_space<hbm>>) dst(%dma_wait3A_191 : memref<2x80xi32, #tpu.memory_space<vmem>>)
    %dma_start3A_196 = arith.constant 2 : i32
    %dma_start3A_197 = arith.constant 0 : i32
    %dma_start3A_198 = arith.constant 2 : i32
    %dma_start3A_199 = arith.constant 0 : i32
    %dma_start3A_200 = arith.constant 0 : i32
    %dma_start3A_201 = tpu.memref_slice %arg6[%dma_start3A_198, %dma_start3A_199, %dma_start3A_200] : memref<4x80x128xf32, #tpu.memory_space<vmem>> -> memref<1x80x128xf32, #tpu.memory_space<vmem>>
    %dma_start3A_202 = tpu.memref_squeeze %dma_start3A_201 : memref<1x80x128xf32, #tpu.memory_space<vmem>> -> memref<80x128xf32, #tpu.memory_space<vmem>>
    %dma_start3A_203 = arith.constant 0 : i32
    %dma_start3A_204 = tpu.memref_slice %arg5[%dma_start3A_196, %dma_start3A_197, %dma_start3A_203] : memref<4x2x80xi32, #tpu.memory_space<vmem>> -> memref<1x1x80xi32, #tpu.memory_space<vmem>>
    %dma_start3A_205 = tpu.memref_squeeze %dma_start3A_204 : memref<1x1x80xi32, #tpu.memory_space<vmem>> -> memref<80xi32, #tpu.memory_space<vmem>>
    %dma_start3A_206 = arith.constant 0 : i32
    %dma_start3A_207 = arith.constant 0 : i32
    %dma_start3A_208 = tpu.memref_slice %arg2[%dma_start3A_206, %dma_start3A_207] : memref<20000x128xf32, #tpu.memory_space<hbm>> -> memref<20000x128xf32, #tpu.memory_space<hbm>>
    tpu.enqueue_indirect_dma source(%dma_start3A_208 : memref<20000x128xf32, #tpu.memory_space<hbm>>) target(%dma_start3A_202 : memref<80x128xf32, #tpu.memory_space<vmem>>) offsets(%dma_start3A_205 : memref<80xi32, #tpu.memory_space<vmem>>) semaphore(%arg14 : memref<!tpu.dma_semaphore, #tpu.memory_space<semaphore_mem>>)
    %dma_wait3A_209 = arith.constant 0 : i32
    %dma_wait3A_210 = arith.constant 3 : i32
    %dma_wait3A_211 = arith.constant 0 : i32
    %dma_wait3A_212 = arith.constant 0 : i32
    %dma_wait3A_213 = tpu.memref_slice %arg5[%dma_wait3A_210, %dma_wait3A_211, %dma_wait3A_212] : memref<4x2x80xi32, #tpu.memory_space<vmem>> -> memref<1x2x80xi32, #tpu.memory_space<vmem>>
    %dma_wait3A_214 = tpu.memref_squeeze %dma_wait3A_213 : memref<1x2x80xi32, #tpu.memory_space<vmem>> -> memref<2x80xi32, #tpu.memory_space<vmem>>
    %dma_wait3A_215 = arith.constant 0 : i32
    %dma_wait3A_216 = arith.constant 0 : i32
    %dma_wait3A_217 = tpu.memref_slice %arg3[%add3A, %dma_wait3A_209, %dma_wait3A_215, %dma_wait3A_216] : memref<32x125x2x80xi32, #tpu.memory_space<hbm>> -> memref<1x1x2x80xi32, #tpu.memory_space<hbm>>
    %dma_wait3A_218 = tpu.memref_squeeze %dma_wait3A_217 : memref<1x1x2x80xi32, #tpu.memory_space<hbm>> -> memref<2x80xi32, #tpu.memory_space<hbm>>
    %dma_wait3A_219 = arith.constant 0 : i32
    %dma_wait3A_220 = arith.constant 0 : i32
    %dma_wait3A_221 = tpu.memref_slice %arg5[%dma_wait3A_210, %dma_wait3A_219, %dma_wait3A_220] : memref<4x2x80xi32, #tpu.memory_space<vmem>> -> memref<1x2x80xi32, #tpu.memory_space<vmem>>
    %dma_wait3A_222 = tpu.memref_squeeze %dma_wait3A_221 : memref<1x2x80xi32, #tpu.memory_space<vmem>> -> memref<2x80xi32, #tpu.memory_space<vmem>>
    %dma_wait3A_223 = arith.constant 0 : i32
    %dma_wait3A_224 = arith.constant 0 : i32
    %dma_wait3A_225 = tpu.memref_slice %arg3[%add3A, %dma_wait3A_209, %dma_wait3A_223, %dma_wait3A_224] : memref<32x125x2x80xi32, #tpu.memory_space<hbm>> -> memref<1x1x2x80xi32, #tpu.memory_space<hbm>>
    %dma_wait3A_226 = tpu.memref_squeeze %dma_wait3A_225 : memref<1x1x2x80xi32, #tpu.memory_space<hbm>> -> memref<2x80xi32, #tpu.memory_space<hbm>>
    tpu.wait_dma2 semaphore(%arg11 : memref<!tpu.dma_semaphore, #tpu.memory_space<semaphore_mem>>) src(%dma_wait3A_226 : memref<2x80xi32, #tpu.memory_space<hbm>>) dst(%dma_wait3A_222 : memref<2x80xi32, #tpu.memory_space<vmem>>)
    %dma_start3A_227 = arith.constant 3 : i32
    %dma_start3A_228 = arith.constant 0 : i32
    %dma_start3A_229 = arith.constant 3 : i32
    %dma_start3A_230 = arith.constant 0 : i32
    %dma_start3A_231 = arith.constant 0 : i32
    %dma_start3A_232 = tpu.memref_slice %arg6[%dma_start3A_229, %dma_start3A_230, %dma_start3A_231] : memref<4x80x128xf32, #tpu.memory_space<vmem>> -> memref<1x80x128xf32, #tpu.memory_space<vmem>>
    %dma_start3A_233 = tpu.memref_squeeze %dma_start3A_232 : memref<1x80x128xf32, #tpu.memory_space<vmem>> -> memref<80x128xf32, #tpu.memory_space<vmem>>
    %dma_start3A_234 = arith.constant 0 : i32
    %dma_start3A_235 = tpu.memref_slice %arg5[%dma_start3A_227, %dma_start3A_228, %dma_start3A_234] : memref<4x2x80xi32, #tpu.memory_space<vmem>> -> memref<1x1x80xi32, #tpu.memory_space<vmem>>
    %dma_start3A_236 = tpu.memref_squeeze %dma_start3A_235 : memref<1x1x80xi32, #tpu.memory_space<vmem>> -> memref<80xi32, #tpu.memory_space<vmem>>
    %dma_start3A_237 = arith.constant 0 : i32
    %dma_start3A_238 = arith.constant 0 : i32
    %dma_start3A_239 = tpu.memref_slice %arg2[%dma_start3A_237, %dma_start3A_238] : memref<20000x128xf32, #tpu.memory_space<hbm>> -> memref<20000x128xf32, #tpu.memory_space<hbm>>
    tpu.enqueue_indirect_dma source(%dma_start3A_239 : memref<20000x128xf32, #tpu.memory_space<hbm>>) target(%dma_start3A_233 : memref<80x128xf32, #tpu.memory_space<vmem>>) offsets(%dma_start3A_236 : memref<80xi32, #tpu.memory_space<vmem>>) semaphore(%arg15 : memref<!tpu.dma_semaphore, #tpu.memory_space<semaphore_mem>>)
    %scan3A_240 = arith.constant 0 : i32
    %scan3A_241 = arith.constant 0 : i32
    %scan3A_242 = arith.constant 30 : i32
    %scan3A_243 = arith.addi %scan3A_241, %scan3A_242 : i32
    %scan3A_244 = arith.constant 1 : i32
    scf.for %scan3A_497 = %scan3A_241 to %scan3A_243 step %scan3A_244  : i32 {
      %mul3A_498 = arith.constant 4 : i32
      %mul3A_499 = arith.muli %scan3A_497, %mul3A_498 : i32
      %dma_wait3A_500 = arith.constant 0 : i32
      %dma_wait3A_501 = arith.constant 0 : i32
      %dma_wait3A_502 = arith.constant 0 : i32
      %dma_wait3A_503 = arith.constant 0 : i32
      %dma_wait3A_504 = arith.constant 0 : i32
      %dma_wait3A_505 = tpu.memref_slice %arg6[%dma_wait3A_502, %dma_wait3A_503, %dma_wait3A_504] : memref<4x80x128xf32, #tpu.memory_space<vmem>> -> memref<1x80x128xf32, #tpu.memory_space<vmem>>
      %dma_wait3A_506 = tpu.memref_squeeze %dma_wait3A_505 : memref<1x80x128xf32, #tpu.memory_space<vmem>> -> memref<80x128xf32, #tpu.memory_space<vmem>>
      %dma_wait3A_507 = arith.constant 0 : i32
      %dma_wait3A_508 = tpu.memref_slice %arg5[%dma_wait3A_500, %dma_wait3A_501, %dma_wait3A_507] : memref<4x2x80xi32, #tpu.memory_space<vmem>> -> memref<1x1x80xi32, #tpu.memory_space<vmem>>
      %dma_wait3A_509 = tpu.memref_squeeze %dma_wait3A_508 : memref<1x1x80xi32, #tpu.memory_space<vmem>> -> memref<80xi32, #tpu.memory_space<vmem>>
      %dma_wait3A_510 = arith.constant 0 : i32
      %dma_wait3A_511 = arith.constant 0 : i32
      %dma_wait3A_512 = tpu.memref_slice %arg2[%dma_wait3A_510, %dma_wait3A_511] : memref<20000x128xf32, #tpu.memory_space<hbm>> -> memref<20000x128xf32, #tpu.memory_space<hbm>>
      tpu.wait_indirect_dma semaphore(%arg12 : memref<!tpu.dma_semaphore, #tpu.memory_space<semaphore_mem>>) src(%dma_wait3A_512 : memref<20000x128xf32, #tpu.memory_space<hbm>>) dst(%dma_wait3A_506 : memref<80x128xf32, #tpu.memory_space<vmem>>)
      %dma_start3A_513 = arith.constant 0 : i32
      %dma_start3A_514 = arith.constant 0 : i32
      %dma_start3A_515 = arith.constant 1 : i32
      %dma_start3A_516 = arith.constant 0 : i32
      %dma_start3A_517 = arith.constant 0 : i32
      %dma_start3A_518 = tpu.memref_slice %arg6[%dma_start3A_513, %dma_start3A_516, %dma_start3A_517] : memref<4x80x128xf32, #tpu.memory_space<vmem>> -> memref<1x80x128xf32, #tpu.memory_space<vmem>>
      %dma_start3A_519 = tpu.memref_squeeze %dma_start3A_518 : memref<1x80x128xf32, #tpu.memory_space<vmem>> -> memref<80x128xf32, #tpu.memory_space<vmem>>
      %dma_start3A_520 = arith.constant 0 : i32
      %dma_start3A_521 = tpu.memref_slice %arg5[%dma_start3A_514, %dma_start3A_515, %dma_start3A_520] : memref<4x2x80xi32, #tpu.memory_space<vmem>> -> memref<1x1x80xi32, #tpu.memory_space<vmem>>
      %dma_start3A_522 = tpu.memref_squeeze %dma_start3A_521 : memref<1x1x80xi32, #tpu.memory_space<vmem>> -> memref<80xi32, #tpu.memory_space<vmem>>
      %dma_start3A_523 = arith.constant 0 : i32
      %dma_start3A_524 = arith.constant 0 : i32
      %dma_start3A_525 = tpu.memref_slice %arg7[%dma_start3A_523, %dma_start3A_524] : memref<10000x128xf32, #tpu.memory_space<vmem_shared>> -> memref<10000x128xf32, #tpu.memory_space<vmem_shared>>
      tpu.enqueue_indirect_dma source(%dma_start3A_519 : memref<80x128xf32, #tpu.memory_space<vmem>>) target(%dma_start3A_525 : memref<10000x128xf32, #tpu.memory_space<vmem_shared>>) offsets(%dma_start3A_522 : memref<80xi32, #tpu.memory_space<vmem>>) semaphore(%arg16 : memref<!tpu.dma_semaphore, #tpu.memory_space<semaphore_mem>>) {add = true}
      %dma_wait3A_526 = arith.constant 0 : i32
      %dma_wait3A_527 = arith.constant 0 : i32
      %dma_wait3A_528 = arith.constant 1 : i32
      %dma_wait3A_529 = arith.constant 0 : i32
      %dma_wait3A_530 = arith.constant 0 : i32
      %dma_wait3A_531 = tpu.memref_slice %arg6[%dma_wait3A_528, %dma_wait3A_529, %dma_wait3A_530] : memref<4x80x128xf32, #tpu.memory_space<vmem>> -> memref<1x80x128xf32, #tpu.memory_space<vmem>>
      %dma_wait3A_532 = tpu.memref_squeeze %dma_wait3A_531 : memref<1x80x128xf32, #tpu.memory_space<vmem>> -> memref<80x128xf32, #tpu.memory_space<vmem>>
      %dma_wait3A_533 = arith.constant 0 : i32
      %dma_wait3A_534 = tpu.memref_slice %arg5[%dma_wait3A_526, %dma_wait3A_527, %dma_wait3A_533] : memref<4x2x80xi32, #tpu.memory_space<vmem>> -> memref<1x1x80xi32, #tpu.memory_space<vmem>>
      %dma_wait3A_535 = tpu.memref_squeeze %dma_wait3A_534 : memref<1x1x80xi32, #tpu.memory_space<vmem>> -> memref<80xi32, #tpu.memory_space<vmem>>
      %dma_wait3A_536 = arith.constant 0 : i32
      %dma_wait3A_537 = arith.constant 0 : i32
      %dma_wait3A_538 = tpu.memref_slice %arg2[%dma_wait3A_536, %dma_wait3A_537] : memref<20000x128xf32, #tpu.memory_space<hbm>> -> memref<20000x128xf32, #tpu.memory_space<hbm>>
      tpu.wait_indirect_dma semaphore(%arg13 : memref<!tpu.dma_semaphore, #tpu.memory_space<semaphore_mem>>) src(%dma_wait3A_538 : memref<20000x128xf32, #tpu.memory_space<hbm>>) dst(%dma_wait3A_532 : memref<80x128xf32, #tpu.memory_space<vmem>>)
      %dma_start3A_539 = arith.constant 1 : i32
      %dma_start3A_540 = arith.constant 1 : i32
      %dma_start3A_541 = arith.constant 1 : i32
      %dma_start3A_542 = arith.constant 0 : i32
      %dma_start3A_543 = arith.constant 0 : i32
      %dma_start3A_544 = tpu.memref_slice %arg6[%dma_start3A_539, %dma_start3A_542, %dma_start3A_543] : memref<4x80x128xf32, #tpu.memory_space<vmem>> -> memref<1x80x128xf32, #tpu.memory_space<vmem>>
      %dma_start3A_545 = tpu.memref_squeeze %dma_start3A_544 : memref<1x80x128xf32, #tpu.memory_space<vmem>> -> memref<80x128xf32, #tpu.memory_space<vmem>>
      %dma_start3A_546 = arith.constant 0 : i32
      %dma_start3A_547 = tpu.memref_slice %arg5[%dma_start3A_540, %dma_start3A_541, %dma_start3A_546] : memref<4x2x80xi32, #tpu.memory_space<vmem>> -> memref<1x1x80xi32, #tpu.memory_space<vmem>>
      %dma_start3A_548 = tpu.memref_squeeze %dma_start3A_547 : memref<1x1x80xi32, #tpu.memory_space<vmem>> -> memref<80xi32, #tpu.memory_space<vmem>>
      %dma_start3A_549 = arith.constant 0 : i32
      %dma_start3A_550 = arith.constant 0 : i32
      %dma_start3A_551 = tpu.memref_slice %arg7[%dma_start3A_549, %dma_start3A_550] : memref<10000x128xf32, #tpu.memory_space<vmem_shared>> -> memref<10000x128xf32, #tpu.memory_space<vmem_shared>>
      tpu.enqueue_indirect_dma source(%dma_start3A_545 : memref<80x128xf32, #tpu.memory_space<vmem>>) target(%dma_start3A_551 : memref<10000x128xf32, #tpu.memory_space<vmem_shared>>) offsets(%dma_start3A_548 : memref<80xi32, #tpu.memory_space<vmem>>) semaphore(%arg17 : memref<!tpu.dma_semaphore, #tpu.memory_space<semaphore_mem>>) {add = true}
      %dma_wait3A_552 = arith.constant 0 : i32
      %dma_wait3A_553 = arith.constant 0 : i32
      %dma_wait3A_554 = arith.constant 2 : i32
      %dma_wait3A_555 = arith.constant 0 : i32
      %dma_wait3A_556 = arith.constant 0 : i32
      %dma_wait3A_557 = tpu.memref_slice %arg6[%dma_wait3A_554, %dma_wait3A_555, %dma_wait3A_556] : memref<4x80x128xf32, #tpu.memory_space<vmem>> -> memref<1x80x128xf32, #tpu.memory_space<vmem>>
      %dma_wait3A_558 = tpu.memref_squeeze %dma_wait3A_557 : memref<1x80x128xf32, #tpu.memory_space<vmem>> -> memref<80x128xf32, #tpu.memory_space<vmem>>
      %dma_wait3A_559 = arith.constant 0 : i32
      %dma_wait3A_560 = tpu.memref_slice %arg5[%dma_wait3A_552, %dma_wait3A_553, %dma_wait3A_559] : memref<4x2x80xi32, #tpu.memory_space<vmem>> -> memref<1x1x80xi32, #tpu.memory_space<vmem>>
      %dma_wait3A_561 = tpu.memref_squeeze %dma_wait3A_560 : memref<1x1x80xi32, #tpu.memory_space<vmem>> -> memref<80xi32, #tpu.memory_space<vmem>>
      %dma_wait3A_562 = arith.constant 0 : i32
      %dma_wait3A_563 = arith.constant 0 : i32
      %dma_wait3A_564 = tpu.memref_slice %arg2[%dma_wait3A_562, %dma_wait3A_563] : memref<20000x128xf32, #tpu.memory_space<hbm>> -> memref<20000x128xf32, #tpu.memory_space<hbm>>
      tpu.wait_indirect_dma semaphore(%arg14 : memref<!tpu.dma_semaphore, #tpu.memory_space<semaphore_mem>>) src(%dma_wait3A_564 : memref<20000x128xf32, #tpu.memory_space<hbm>>) dst(%dma_wait3A_558 : memref<80x128xf32, #tpu.memory_space<vmem>>)
      %dma_start3A_565 = arith.constant 2 : i32
      %dma_start3A_566 = arith.constant 2 : i32
      %dma_start3A_567 = arith.constant 1 : i32
      %dma_start3A_568 = arith.constant 0 : i32
      %dma_start3A_569 = arith.constant 0 : i32
      %dma_start3A_570 = tpu.memref_slice %arg6[%dma_start3A_565, %dma_start3A_568, %dma_start3A_569] : memref<4x80x128xf32, #tpu.memory_space<vmem>> -> memref<1x80x128xf32, #tpu.memory_space<vmem>>
      %dma_start3A_571 = tpu.memref_squeeze %dma_start3A_570 : memref<1x80x128xf32, #tpu.memory_space<vmem>> -> memref<80x128xf32, #tpu.memory_space<vmem>>
      %dma_start3A_572 = arith.constant 0 : i32
      %dma_start3A_573 = tpu.memref_slice %arg5[%dma_start3A_566, %dma_start3A_567, %dma_start3A_572] : memref<4x2x80xi32, #tpu.memory_space<vmem>> -> memref<1x1x80xi32, #tpu.memory_space<vmem>>
      %dma_start3A_574 = tpu.memref_squeeze %dma_start3A_573 : memref<1x1x80xi32, #tpu.memory_space<vmem>> -> memref<80xi32, #tpu.memory_space<vmem>>
      %dma_start3A_575 = arith.constant 0 : i32
      %dma_start3A_576 = arith.constant 0 : i32
      %dma_start3A_577 = tpu.memref_slice %arg7[%dma_start3A_575, %dma_start3A_576] : memref<10000x128xf32, #tpu.memory_space<vmem_shared>> -> memref<10000x128xf32, #tpu.memory_space<vmem_shared>>
      tpu.enqueue_indirect_dma source(%dma_start3A_571 : memref<80x128xf32, #tpu.memory_space<vmem>>) target(%dma_start3A_577 : memref<10000x128xf32, #tpu.memory_space<vmem_shared>>) offsets(%dma_start3A_574 : memref<80xi32, #tpu.memory_space<vmem>>) semaphore(%arg18 : memref<!tpu.dma_semaphore, #tpu.memory_space<semaphore_mem>>) {add = true}
      %dma_wait3A_578 = arith.constant 0 : i32
      %dma_wait3A_579 = arith.constant 0 : i32
      %dma_wait3A_580 = arith.constant 3 : i32
      %dma_wait3A_581 = arith.constant 0 : i32
      %dma_wait3A_582 = arith.constant 0 : i32
      %dma_wait3A_583 = tpu.memref_slice %arg6[%dma_wait3A_580, %dma_wait3A_581, %dma_wait3A_582] : memref<4x80x128xf32, #tpu.memory_space<vmem>> -> memref<1x80x128xf32, #tpu.memory_space<vmem>>
      %dma_wait3A_584 = tpu.memref_squeeze %dma_wait3A_583 : memref<1x80x128xf32, #tpu.memory_space<vmem>> -> memref<80x128xf32, #tpu.memory_space<vmem>>
      %dma_wait3A_585 = arith.constant 0 : i32
      %dma_wait3A_586 = tpu.memref_slice %arg5[%dma_wait3A_578, %dma_wait3A_579, %dma_wait3A_585] : memref<4x2x80xi32, #tpu.memory_space<vmem>> -> memref<1x1x80xi32, #tpu.memory_space<vmem>>
      %dma_wait3A_587 = tpu.memref_squeeze %dma_wait3A_586 : memref<1x1x80xi32, #tpu.memory_space<vmem>> -> memref<80xi32, #tpu.memory_space<vmem>>
      %dma_wait3A_588 = arith.constant 0 : i32
      %dma_wait3A_589 = arith.constant 0 : i32
      %dma_wait3A_590 = tpu.memref_slice %arg2[%dma_wait3A_588, %dma_wait3A_589] : memref<20000x128xf32, #tpu.memory_space<hbm>> -> memref<20000x128xf32, #tpu.memory_space<hbm>>
      tpu.wait_indirect_dma semaphore(%arg15 : memref<!tpu.dma_semaphore, #tpu.memory_space<semaphore_mem>>) src(%dma_wait3A_590 : memref<20000x128xf32, #tpu.memory_space<hbm>>) dst(%dma_wait3A_584 : memref<80x128xf32, #tpu.memory_space<vmem>>)
      %dma_start3A_591 = arith.constant 3 : i32
      %dma_start3A_592 = arith.constant 3 : i32
      %dma_start3A_593 = arith.constant 1 : i32
      %dma_start3A_594 = arith.constant 0 : i32
      %dma_start3A_595 = arith.constant 0 : i32
      %dma_start3A_596 = tpu.memref_slice %arg6[%dma_start3A_591, %dma_start3A_594, %dma_start3A_595] : memref<4x80x128xf32, #tpu.memory_space<vmem>> -> memref<1x80x128xf32, #tpu.memory_space<vmem>>
      %dma_start3A_597 = tpu.memref_squeeze %dma_start3A_596 : memref<1x80x128xf32, #tpu.memory_space<vmem>> -> memref<80x128xf32, #tpu.memory_space<vmem>>
      %dma_start3A_598 = arith.constant 0 : i32
      %dma_start3A_599 = tpu.memref_slice %arg5[%dma_start3A_592, %dma_start3A_593, %dma_start3A_598] : memref<4x2x80xi32, #tpu.memory_space<vmem>> -> memref<1x1x80xi32, #tpu.memory_space<vmem>>
      %dma_start3A_600 = tpu.memref_squeeze %dma_start3A_599 : memref<1x1x80xi32, #tpu.memory_space<vmem>> -> memref<80xi32, #tpu.memory_space<vmem>>
      %dma_start3A_601 = arith.constant 0 : i32
      %dma_start3A_602 = arith.constant 0 : i32
      %dma_start3A_603 = tpu.memref_slice %arg7[%dma_start3A_601, %dma_start3A_602] : memref<10000x128xf32, #tpu.memory_space<vmem_shared>> -> memref<10000x128xf32, #tpu.memory_space<vmem_shared>>
      tpu.enqueue_indirect_dma source(%dma_start3A_597 : memref<80x128xf32, #tpu.memory_space<vmem>>) target(%dma_start3A_603 : memref<10000x128xf32, #tpu.memory_space<vmem_shared>>) offsets(%dma_start3A_600 : memref<80xi32, #tpu.memory_space<vmem>>) semaphore(%arg19 : memref<!tpu.dma_semaphore, #tpu.memory_space<semaphore_mem>>) {add = true}
      %dma_wait3A_604 = arith.constant 0 : i32
      %dma_wait3A_605 = arith.constant 0 : i32
      %dma_wait3A_606 = arith.constant 1 : i32
      %dma_wait3A_607 = arith.constant 0 : i32
      %dma_wait3A_608 = arith.constant 0 : i32
      %dma_wait3A_609 = tpu.memref_slice %arg6[%dma_wait3A_604, %dma_wait3A_607, %dma_wait3A_608] : memref<4x80x128xf32, #tpu.memory_space<vmem>> -> memref<1x80x128xf32, #tpu.memory_space<vmem>>
      %dma_wait3A_610 = tpu.memref_squeeze %dma_wait3A_609 : memref<1x80x128xf32, #tpu.memory_space<vmem>> -> memref<80x128xf32, #tpu.memory_space<vmem>>
      %dma_wait3A_611 = arith.constant 0 : i32
      %dma_wait3A_612 = tpu.memref_slice %arg5[%dma_wait3A_605, %dma_wait3A_606, %dma_wait3A_611] : memref<4x2x80xi32, #tpu.memory_space<vmem>> -> memref<1x1x80xi32, #tpu.memory_space<vmem>>
      %dma_wait3A_613 = tpu.memref_squeeze %dma_wait3A_612 : memref<1x1x80xi32, #tpu.memory_space<vmem>> -> memref<80xi32, #tpu.memory_space<vmem>>
      %dma_wait3A_614 = arith.constant 0 : i32
      %dma_wait3A_615 = arith.constant 0 : i32
      %dma_wait3A_616 = tpu.memref_slice %arg7[%dma_wait3A_614, %dma_wait3A_615] : memref<10000x128xf32, #tpu.memory_space<vmem_shared>> -> memref<10000x128xf32, #tpu.memory_space<vmem_shared>>
      tpu.wait_indirect_dma semaphore(%arg16 : memref<!tpu.dma_semaphore, #tpu.memory_space<semaphore_mem>>) src(%dma_wait3A_610 : memref<80x128xf32, #tpu.memory_space<vmem>>) dst(%dma_wait3A_616 : memref<10000x128xf32, #tpu.memory_space<vmem_shared>>)
      %add3A_617 = arith.constant 4 : i32
      %add3A_618 = arith.addi %mul3A_499, %add3A_617 : i32
      %add3A_619 = arith.constant 0 : i32
      %add3A_620 = arith.addi %add3A_618, %add3A_619 : i32
      %dma_start3A_621 = arith.constant 0 : i32
      %dma_start3A_622 = arith.constant 0 : i32
      %dma_start3A_623 = arith.constant 0 : i32
      %dma_start3A_624 = tpu.memref_slice %arg5[%dma_start3A_621, %dma_start3A_622, %dma_start3A_623] : memref<4x2x80xi32, #tpu.memory_space<vmem>> -> memref<1x2x80xi32, #tpu.memory_space<vmem>>
      %dma_start3A_625 = tpu.memref_squeeze %dma_start3A_624 : memref<1x2x80xi32, #tpu.memory_space<vmem>> -> memref<2x80xi32, #tpu.memory_space<vmem>>
      %dma_start3A_626 = arith.constant 0 : i32
      %dma_start3A_627 = arith.constant 0 : i32
      %dma_start3A_628 = tpu.memref_slice %arg3[%add3A, %add3A_620, %dma_start3A_626, %dma_start3A_627] : memref<32x125x2x80xi32, #tpu.memory_space<hbm>> -> memref<1x1x2x80xi32, #tpu.memory_space<hbm>>
      %dma_start3A_629 = tpu.memref_squeeze %dma_start3A_628 : memref<1x1x2x80xi32, #tpu.memory_space<hbm>> -> memref<2x80xi32, #tpu.memory_space<hbm>>
      %dma_start3A_630 = arith.constant 0 : i32
      %dma_start3A_631 = arith.constant 0 : i32
      %dma_start3A_632 = tpu.memref_slice %arg5[%dma_start3A_621, %dma_start3A_630, %dma_start3A_631] : memref<4x2x80xi32, #tpu.memory_space<vmem>> -> memref<1x2x80xi32, #tpu.memory_space<vmem>>
      %dma_start3A_633 = tpu.memref_squeeze %dma_start3A_632 : memref<1x2x80xi32, #tpu.memory_space<vmem>> -> memref<2x80xi32, #tpu.memory_space<vmem>>
      %dma_start3A_634 = arith.constant 0 : i32
      %dma_start3A_635 = arith.constant 0 : i32
      %dma_start3A_636 = tpu.memref_slice %arg3[%add3A, %add3A_620, %dma_start3A_634, %dma_start3A_635] : memref<32x125x2x80xi32, #tpu.memory_space<hbm>> -> memref<1x1x2x80xi32, #tpu.memory_space<hbm>>
      %dma_start3A_637 = tpu.memref_squeeze %dma_start3A_636 : memref<1x1x2x80xi32, #tpu.memory_space<hbm>> -> memref<2x80xi32, #tpu.memory_space<hbm>>
      tpu.enqueue_dma source(%dma_start3A_637 : memref<2x80xi32, #tpu.memory_space<hbm>>) target(%dma_start3A_633 : memref<2x80xi32, #tpu.memory_space<vmem>>) target_semaphore(%arg8 : memref<!tpu.dma_semaphore, #tpu.memory_space<semaphore_mem>>)
      %dma_wait3A_638 = arith.constant 1 : i32
      %dma_wait3A_639 = arith.constant 0 : i32
      %dma_wait3A_640 = arith.constant 1 : i32
      %dma_wait3A_641 = arith.constant 0 : i32
      %dma_wait3A_642 = arith.constant 0 : i32
      %dma_wait3A_643 = tpu.memref_slice %arg6[%dma_wait3A_638, %dma_wait3A_641, %dma_wait3A_642] : memref<4x80x128xf32, #tpu.memory_space<vmem>> -> memref<1x80x128xf32, #tpu.memory_space<vmem>>
      %dma_wait3A_644 = tpu.memref_squeeze %dma_wait3A_643 : memref<1x80x128xf32, #tpu.memory_space<vmem>> -> memref<80x128xf32, #tpu.memory_space<vmem>>
      %dma_wait3A_645 = arith.constant 0 : i32
      %dma_wait3A_646 = tpu.memref_slice %arg5[%dma_wait3A_639, %dma_wait3A_640, %dma_wait3A_645] : memref<4x2x80xi32, #tpu.memory_space<vmem>> -> memref<1x1x80xi32, #tpu.memory_space<vmem>>
      %dma_wait3A_647 = tpu.memref_squeeze %dma_wait3A_646 : memref<1x1x80xi32, #tpu.memory_space<vmem>> -> memref<80xi32, #tpu.memory_space<vmem>>
      %dma_wait3A_648 = arith.constant 0 : i32
      %dma_wait3A_649 = arith.constant 0 : i32
      %dma_wait3A_650 = tpu.memref_slice %arg7[%dma_wait3A_648, %dma_wait3A_649] : memref<10000x128xf32, #tpu.memory_space<vmem_shared>> -> memref<10000x128xf32, #tpu.memory_space<vmem_shared>>
      tpu.wait_indirect_dma semaphore(%arg17 : memref<!tpu.dma_semaphore, #tpu.memory_space<semaphore_mem>>) src(%dma_wait3A_644 : memref<80x128xf32, #tpu.memory_space<vmem>>) dst(%dma_wait3A_650 : memref<10000x128xf32, #tpu.memory_space<vmem_shared>>)
      %add3A_651 = arith.constant 4 : i32
      %add3A_652 = arith.addi %mul3A_499, %add3A_651 : i32
      %add3A_653 = arith.constant 1 : i32
      %add3A_654 = arith.addi %add3A_652, %add3A_653 : i32
      %dma_start3A_655 = arith.constant 1 : i32
      %dma_start3A_656 = arith.constant 0 : i32
      %dma_start3A_657 = arith.constant 0 : i32
      %dma_start3A_658 = tpu.memref_slice %arg5[%dma_start3A_655, %dma_start3A_656, %dma_start3A_657] : memref<4x2x80xi32, #tpu.memory_space<vmem>> -> memref<1x2x80xi32, #tpu.memory_space<vmem>>
      %dma_start3A_659 = tpu.memref_squeeze %dma_start3A_658 : memref<1x2x80xi32, #tpu.memory_space<vmem>> -> memref<2x80xi32, #tpu.memory_space<vmem>>
      %dma_start3A_660 = arith.constant 0 : i32
      %dma_start3A_661 = arith.constant 0 : i32
      %dma_start3A_662 = tpu.memref_slice %arg3[%add3A, %add3A_654, %dma_start3A_660, %dma_start3A_661] : memref<32x125x2x80xi32, #tpu.memory_space<hbm>> -> memref<1x1x2x80xi32, #tpu.memory_space<hbm>>
      %dma_start3A_663 = tpu.memref_squeeze %dma_start3A_662 : memref<1x1x2x80xi32, #tpu.memory_space<hbm>> -> memref<2x80xi32, #tpu.memory_space<hbm>>
      %dma_start3A_664 = arith.constant 0 : i32
      %dma_start3A_665 = arith.constant 0 : i32
      %dma_start3A_666 = tpu.memref_slice %arg5[%dma_start3A_655, %dma_start3A_664, %dma_start3A_665] : memref<4x2x80xi32, #tpu.memory_space<vmem>> -> memref<1x2x80xi32, #tpu.memory_space<vmem>>
      %dma_start3A_667 = tpu.memref_squeeze %dma_start3A_666 : memref<1x2x80xi32, #tpu.memory_space<vmem>> -> memref<2x80xi32, #tpu.memory_space<vmem>>
      %dma_start3A_668 = arith.constant 0 : i32
      %dma_start3A_669 = arith.constant 0 : i32
      %dma_start3A_670 = tpu.memref_slice %arg3[%add3A, %add3A_654, %dma_start3A_668, %dma_start3A_669] : memref<32x125x2x80xi32, #tpu.memory_space<hbm>> -> memref<1x1x2x80xi32, #tpu.memory_space<hbm>>
      %dma_start3A_671 = tpu.memref_squeeze %dma_start3A_670 : memref<1x1x2x80xi32, #tpu.memory_space<hbm>> -> memref<2x80xi32, #tpu.memory_space<hbm>>
      tpu.enqueue_dma source(%dma_start3A_671 : memref<2x80xi32, #tpu.memory_space<hbm>>) target(%dma_start3A_667 : memref<2x80xi32, #tpu.memory_space<vmem>>) target_semaphore(%arg9 : memref<!tpu.dma_semaphore, #tpu.memory_space<semaphore_mem>>)
      %dma_wait3A_672 = arith.constant 2 : i32
      %dma_wait3A_673 = arith.constant 0 : i32
      %dma_wait3A_674 = arith.constant 1 : i32
      %dma_wait3A_675 = arith.constant 0 : i32
      %dma_wait3A_676 = arith.constant 0 : i32
      %dma_wait3A_677 = tpu.memref_slice %arg6[%dma_wait3A_672, %dma_wait3A_675, %dma_wait3A_676] : memref<4x80x128xf32, #tpu.memory_space<vmem>> -> memref<1x80x128xf32, #tpu.memory_space<vmem>>
      %dma_wait3A_678 = tpu.memref_squeeze %dma_wait3A_677 : memref<1x80x128xf32, #tpu.memory_space<vmem>> -> memref<80x128xf32, #tpu.memory_space<vmem>>
      %dma_wait3A_679 = arith.constant 0 : i32
      %dma_wait3A_680 = tpu.memref_slice %arg5[%dma_wait3A_673, %dma_wait3A_674, %dma_wait3A_679] : memref<4x2x80xi32, #tpu.memory_space<vmem>> -> memref<1x1x80xi32, #tpu.memory_space<vmem>>
      %dma_wait3A_681 = tpu.memref_squeeze %dma_wait3A_680 : memref<1x1x80xi32, #tpu.memory_space<vmem>> -> memref<80xi32, #tpu.memory_space<vmem>>
      %dma_wait3A_682 = arith.constant 0 : i32
      %dma_wait3A_683 = arith.constant 0 : i32
      %dma_wait3A_684 = tpu.memref_slice %arg7[%dma_wait3A_682, %dma_wait3A_683] : memref<10000x128xf32, #tpu.memory_space<vmem_shared>> -> memref<10000x128xf32, #tpu.memory_space<vmem_shared>>
      tpu.wait_indirect_dma semaphore(%arg18 : memref<!tpu.dma_semaphore, #tpu.memory_space<semaphore_mem>>) src(%dma_wait3A_678 : memref<80x128xf32, #tpu.memory_space<vmem>>) dst(%dma_wait3A_684 : memref<10000x128xf32, #tpu.memory_space<vmem_shared>>)
      %add3A_685 = arith.constant 4 : i32
      %add3A_686 = arith.addi %mul3A_499, %add3A_685 : i32
      %add3A_687 = arith.constant 2 : i32
      %add3A_688 = arith.addi %add3A_686, %add3A_687 : i32
      %dma_start3A_689 = arith.constant 2 : i32
      %dma_start3A_690 = arith.constant 0 : i32
      %dma_start3A_691 = arith.constant 0 : i32
      %dma_start3A_692 = tpu.memref_slice %arg5[%dma_start3A_689, %dma_start3A_690, %dma_start3A_691] : memref<4x2x80xi32, #tpu.memory_space<vmem>> -> memref<1x2x80xi32, #tpu.memory_space<vmem>>
      %dma_start3A_693 = tpu.memref_squeeze %dma_start3A_692 : memref<1x2x80xi32, #tpu.memory_space<vmem>> -> memref<2x80xi32, #tpu.memory_space<vmem>>
      %dma_start3A_694 = arith.constant 0 : i32
      %dma_start3A_695 = arith.constant 0 : i32
      %dma_start3A_696 = tpu.memref_slice %arg3[%add3A, %add3A_688, %dma_start3A_694, %dma_start3A_695] : memref<32x125x2x80xi32, #tpu.memory_space<hbm>> -> memref<1x1x2x80xi32, #tpu.memory_space<hbm>>
      %dma_start3A_697 = tpu.memref_squeeze %dma_start3A_696 : memref<1x1x2x80xi32, #tpu.memory_space<hbm>> -> memref<2x80xi32, #tpu.memory_space<hbm>>
      %dma_start3A_698 = arith.constant 0 : i32
      %dma_start3A_699 = arith.constant 0 : i32
      %dma_start3A_700 = tpu.memref_slice %arg5[%dma_start3A_689, %dma_start3A_698, %dma_start3A_699] : memref<4x2x80xi32, #tpu.memory_space<vmem>> -> memref<1x2x80xi32, #tpu.memory_space<vmem>>
      %dma_start3A_701 = tpu.memref_squeeze %dma_start3A_700 : memref<1x2x80xi32, #tpu.memory_space<vmem>> -> memref<2x80xi32, #tpu.memory_space<vmem>>
      %dma_start3A_702 = arith.constant 0 : i32
      %dma_start3A_703 = arith.constant 0 : i32
      %dma_start3A_704 = tpu.memref_slice %arg3[%add3A, %add3A_688, %dma_start3A_702, %dma_start3A_703] : memref<32x125x2x80xi32, #tpu.memory_space<hbm>> -> memref<1x1x2x80xi32, #tpu.memory_space<hbm>>
      %dma_start3A_705 = tpu.memref_squeeze %dma_start3A_704 : memref<1x1x2x80xi32, #tpu.memory_space<hbm>> -> memref<2x80xi32, #tpu.memory_space<hbm>>
      tpu.enqueue_dma source(%dma_start3A_705 : memref<2x80xi32, #tpu.memory_space<hbm>>) target(%dma_start3A_701 : memref<2x80xi32, #tpu.memory_space<vmem>>) target_semaphore(%arg10 : memref<!tpu.dma_semaphore, #tpu.memory_space<semaphore_mem>>)
      %dma_wait3A_706 = arith.constant 3 : i32
      %dma_wait3A_707 = arith.constant 0 : i32
      %dma_wait3A_708 = arith.constant 1 : i32
      %dma_wait3A_709 = arith.constant 0 : i32
      %dma_wait3A_710 = arith.constant 0 : i32
      %dma_wait3A_711 = tpu.memref_slice %arg6[%dma_wait3A_706, %dma_wait3A_709, %dma_wait3A_710] : memref<4x80x128xf32, #tpu.memory_space<vmem>> -> memref<1x80x128xf32, #tpu.memory_space<vmem>>
      %dma_wait3A_712 = tpu.memref_squeeze %dma_wait3A_711 : memref<1x80x128xf32, #tpu.memory_space<vmem>> -> memref<80x128xf32, #tpu.memory_space<vmem>>
      %dma_wait3A_713 = arith.constant 0 : i32
      %dma_wait3A_714 = tpu.memref_slice %arg5[%dma_wait3A_707, %dma_wait3A_708, %dma_wait3A_713] : memref<4x2x80xi32, #tpu.memory_space<vmem>> -> memref<1x1x80xi32, #tpu.memory_space<vmem>>
      %dma_wait3A_715 = tpu.memref_squeeze %dma_wait3A_714 : memref<1x1x80xi32, #tpu.memory_space<vmem>> -> memref<80xi32, #tpu.memory_space<vmem>>
      %dma_wait3A_716 = arith.constant 0 : i32
      %dma_wait3A_717 = arith.constant 0 : i32
      %dma_wait3A_718 = tpu.memref_slice %arg7[%dma_wait3A_716, %dma_wait3A_717] : memref<10000x128xf32, #tpu.memory_space<vmem_shared>> -> memref<10000x128xf32, #tpu.memory_space<vmem_shared>>
      tpu.wait_indirect_dma semaphore(%arg19 : memref<!tpu.dma_semaphore, #tpu.memory_space<semaphore_mem>>) src(%dma_wait3A_712 : memref<80x128xf32, #tpu.memory_space<vmem>>) dst(%dma_wait3A_718 : memref<10000x128xf32, #tpu.memory_space<vmem_shared>>)
      %add3A_719 = arith.constant 4 : i32
      %add3A_720 = arith.addi %mul3A_499, %add3A_719 : i32
      %add3A_721 = arith.constant 3 : i32
      %add3A_722 = arith.addi %add3A_720, %add3A_721 : i32
      %dma_start3A_723 = arith.constant 3 : i32
      %dma_start3A_724 = arith.constant 0 : i32
      %dma_start3A_725 = arith.constant 0 : i32
      %dma_start3A_726 = tpu.memref_slice %arg5[%dma_start3A_723, %dma_start3A_724, %dma_start3A_725] : memref<4x2x80xi32, #tpu.memory_space<vmem>> -> memref<1x2x80xi32, #tpu.memory_space<vmem>>
      %dma_start3A_727 = tpu.memref_squeeze %dma_start3A_726 : memref<1x2x80xi32, #tpu.memory_space<vmem>> -> memref<2x80xi32, #tpu.memory_space<vmem>>
      %dma_start3A_728 = arith.constant 0 : i32
      %dma_start3A_729 = arith.constant 0 : i32
      %dma_start3A_730 = tpu.memref_slice %arg3[%add3A, %add3A_722, %dma_start3A_728, %dma_start3A_729] : memref<32x125x2x80xi32, #tpu.memory_space<hbm>> -> memref<1x1x2x80xi32, #tpu.memory_space<hbm>>
      %dma_start3A_731 = tpu.memref_squeeze %dma_start3A_730 : memref<1x1x2x80xi32, #tpu.memory_space<hbm>> -> memref<2x80xi32, #tpu.memory_space<hbm>>
      %dma_start3A_732 = arith.constant 0 : i32
      %dma_start3A_733 = arith.constant 0 : i32
      %dma_start3A_734 = tpu.memref_slice %arg5[%dma_start3A_723, %dma_start3A_732, %dma_start3A_733] : memref<4x2x80xi32, #tpu.memory_space<vmem>> -> memref<1x2x80xi32, #tpu.memory_space<vmem>>
      %dma_start3A_735 = tpu.memref_squeeze %dma_start3A_734 : memref<1x2x80xi32, #tpu.memory_space<vmem>> -> memref<2x80xi32, #tpu.memory_space<vmem>>
      %dma_start3A_736 = arith.constant 0 : i32
      %dma_start3A_737 = arith.constant 0 : i32
      %dma_start3A_738 = tpu.memref_slice %arg3[%add3A, %add3A_722, %dma_start3A_736, %dma_start3A_737] : memref<32x125x2x80xi32, #tpu.memory_space<hbm>> -> memref<1x1x2x80xi32, #tpu.memory_space<hbm>>
      %dma_start3A_739 = tpu.memref_squeeze %dma_start3A_738 : memref<1x1x2x80xi32, #tpu.memory_space<hbm>> -> memref<2x80xi32, #tpu.memory_space<hbm>>
      tpu.enqueue_dma source(%dma_start3A_739 : memref<2x80xi32, #tpu.memory_space<hbm>>) target(%dma_start3A_735 : memref<2x80xi32, #tpu.memory_space<vmem>>) target_semaphore(%arg11 : memref<!tpu.dma_semaphore, #tpu.memory_space<semaphore_mem>>)
      %dma_wait3A_740 = arith.constant 0 : i32
      %dma_wait3A_741 = arith.constant 0 : i32
      %dma_wait3A_742 = arith.constant 0 : i32
      %dma_wait3A_743 = arith.constant 0 : i32
      %dma_wait3A_744 = tpu.memref_slice %arg5[%dma_wait3A_741, %dma_wait3A_742, %dma_wait3A_743] : memref<4x2x80xi32, #tpu.memory_space<vmem>> -> memref<1x2x80xi32, #tpu.memory_space<vmem>>
      %dma_wait3A_745 = tpu.memref_squeeze %dma_wait3A_744 : memref<1x2x80xi32, #tpu.memory_space<vmem>> -> memref<2x80xi32, #tpu.memory_space<vmem>>
      %dma_wait3A_746 = arith.constant 0 : i32
      %dma_wait3A_747 = arith.constant 0 : i32
      %dma_wait3A_748 = tpu.memref_slice %arg3[%add3A, %dma_wait3A_740, %dma_wait3A_746, %dma_wait3A_747] : memref<32x125x2x80xi32, #tpu.memory_space<hbm>> -> memref<1x1x2x80xi32, #tpu.memory_space<hbm>>
      %dma_wait3A_749 = tpu.memref_squeeze %dma_wait3A_748 : memref<1x1x2x80xi32, #tpu.memory_space<hbm>> -> memref<2x80xi32, #tpu.memory_space<hbm>>
      %dma_wait3A_750 = arith.constant 0 : i32
      %dma_wait3A_751 = arith.constant 0 : i32
      %dma_wait3A_752 = tpu.memref_slice %arg5[%dma_wait3A_741, %dma_wait3A_750, %dma_wait3A_751] : memref<4x2x80xi32, #tpu.memory_space<vmem>> -> memref<1x2x80xi32, #tpu.memory_space<vmem>>
      %dma_wait3A_753 = tpu.memref_squeeze %dma_wait3A_752 : memref<1x2x80xi32, #tpu.memory_space<vmem>> -> memref<2x80xi32, #tpu.memory_space<vmem>>
      %dma_wait3A_754 = arith.constant 0 : i32
      %dma_wait3A_755 = arith.constant 0 : i32
      %dma_wait3A_756 = tpu.memref_slice %arg3[%add3A, %dma_wait3A_740, %dma_wait3A_754, %dma_wait3A_755] : memref<32x125x2x80xi32, #tpu.memory_space<hbm>> -> memref<1x1x2x80xi32, #tpu.memory_space<hbm>>
      %dma_wait3A_757 = tpu.memref_squeeze %dma_wait3A_756 : memref<1x1x2x80xi32, #tpu.memory_space<hbm>> -> memref<2x80xi32, #tpu.memory_space<hbm>>
      tpu.wait_dma2 semaphore(%arg8 : memref<!tpu.dma_semaphore, #tpu.memory_space<semaphore_mem>>) src(%dma_wait3A_757 : memref<2x80xi32, #tpu.memory_space<hbm>>) dst(%dma_wait3A_753 : memref<2x80xi32, #tpu.memory_space<vmem>>)
      %dma_start3A_758 = arith.constant 0 : i32
      %dma_start3A_759 = arith.constant 0 : i32
      %dma_start3A_760 = arith.constant 0 : i32
      %dma_start3A_761 = arith.constant 0 : i32
      %dma_start3A_762 = arith.constant 0 : i32
      %dma_start3A_763 = tpu.memref_slice %arg6[%dma_start3A_760, %dma_start3A_761, %dma_start3A_762] : memref<4x80x128xf32, #tpu.memory_space<vmem>> -> memref<1x80x128xf32, #tpu.memory_space<vmem>>
      %dma_start3A_764 = tpu.memref_squeeze %dma_start3A_763 : memref<1x80x128xf32, #tpu.memory_space<vmem>> -> memref<80x128xf32, #tpu.memory_space<vmem>>
      %dma_start3A_765 = arith.constant 0 : i32
      %dma_start3A_766 = tpu.memref_slice %arg5[%dma_start3A_758, %dma_start3A_759, %dma_start3A_765] : memref<4x2x80xi32, #tpu.memory_space<vmem>> -> memref<1x1x80xi32, #tpu.memory_space<vmem>>
      %dma_start3A_767 = tpu.memref_squeeze %dma_start3A_766 : memref<1x1x80xi32, #tpu.memory_space<vmem>> -> memref<80xi32, #tpu.memory_space<vmem>>
      %dma_start3A_768 = arith.constant 0 : i32
      %dma_start3A_769 = arith.constant 0 : i32
      %dma_start3A_770 = tpu.memref_slice %arg2[%dma_start3A_768, %dma_start3A_769] : memref<20000x128xf32, #tpu.memory_space<hbm>> -> memref<20000x128xf32, #tpu.memory_space<hbm>>
      tpu.enqueue_indirect_dma source(%dma_start3A_770 : memref<20000x128xf32, #tpu.memory_space<hbm>>) target(%dma_start3A_764 : memref<80x128xf32, #tpu.memory_space<vmem>>) offsets(%dma_start3A_767 : memref<80xi32, #tpu.memory_space<vmem>>) semaphore(%arg12 : memref<!tpu.dma_semaphore, #tpu.memory_space<semaphore_mem>>)
      %dma_wait3A_771 = arith.constant 0 : i32
      %dma_wait3A_772 = arith.constant 1 : i32
      %dma_wait3A_773 = arith.constant 0 : i32
      %dma_wait3A_774 = arith.constant 0 : i32
      %dma_wait3A_775 = tpu.memref_slice %arg5[%dma_wait3A_772, %dma_wait3A_773, %dma_wait3A_774] : memref<4x2x80xi32, #tpu.memory_space<vmem>> -> memref<1x2x80xi32, #tpu.memory_space<vmem>>
      %dma_wait3A_776 = tpu.memref_squeeze %dma_wait3A_775 : memref<1x2x80xi32, #tpu.memory_space<vmem>> -> memref<2x80xi32, #tpu.memory_space<vmem>>
      %dma_wait3A_777 = arith.constant 0 : i32
      %dma_wait3A_778 = arith.constant 0 : i32
      %dma_wait3A_779 = tpu.memref_slice %arg3[%add3A, %dma_wait3A_771, %dma_wait3A_777, %dma_wait3A_778] : memref<32x125x2x80xi32, #tpu.memory_space<hbm>> -> memref<1x1x2x80xi32, #tpu.memory_space<hbm>>
      %dma_wait3A_780 = tpu.memref_squeeze %dma_wait3A_779 : memref<1x1x2x80xi32, #tpu.memory_space<hbm>> -> memref<2x80xi32, #tpu.memory_space<hbm>>
      %dma_wait3A_781 = arith.constant 0 : i32
      %dma_wait3A_782 = arith.constant 0 : i32
      %dma_wait3A_783 = tpu.memref_slice %arg5[%dma_wait3A_772, %dma_wait3A_781, %dma_wait3A_782] : memref<4x2x80xi32, #tpu.memory_space<vmem>> -> memref<1x2x80xi32, #tpu.memory_space<vmem>>
      %dma_wait3A_784 = tpu.memref_squeeze %dma_wait3A_783 : memref<1x2x80xi32, #tpu.memory_space<vmem>> -> memref<2x80xi32, #tpu.memory_space<vmem>>
      %dma_wait3A_785 = arith.constant 0 : i32
      %dma_wait3A_786 = arith.constant 0 : i32
      %dma_wait3A_787 = tpu.memref_slice %arg3[%add3A, %dma_wait3A_771, %dma_wait3A_785, %dma_wait3A_786] : memref<32x125x2x80xi32, #tpu.memory_space<hbm>> -> memref<1x1x2x80xi32, #tpu.memory_space<hbm>>
      %dma_wait3A_788 = tpu.memref_squeeze %dma_wait3A_787 : memref<1x1x2x80xi32, #tpu.memory_space<hbm>> -> memref<2x80xi32, #tpu.memory_space<hbm>>
      tpu.wait_dma2 semaphore(%arg9 : memref<!tpu.dma_semaphore, #tpu.memory_space<semaphore_mem>>) src(%dma_wait3A_788 : memref<2x80xi32, #tpu.memory_space<hbm>>) dst(%dma_wait3A_784 : memref<2x80xi32, #tpu.memory_space<vmem>>)
      %dma_start3A_789 = arith.constant 1 : i32
      %dma_start3A_790 = arith.constant 0 : i32
      %dma_start3A_791 = arith.constant 1 : i32
      %dma_start3A_792 = arith.constant 0 : i32
      %dma_start3A_793 = arith.constant 0 : i32
      %dma_start3A_794 = tpu.memref_slice %arg6[%dma_start3A_791, %dma_start3A_792, %dma_start3A_793] : memref<4x80x128xf32, #tpu.memory_space<vmem>> -> memref<1x80x128xf32, #tpu.memory_space<vmem>>
      %dma_start3A_795 = tpu.memref_squeeze %dma_start3A_794 : memref<1x80x128xf32, #tpu.memory_space<vmem>> -> memref<80x128xf32, #tpu.memory_space<vmem>>
      %dma_start3A_796 = arith.constant 0 : i32
      %dma_start3A_797 = tpu.memref_slice %arg5[%dma_start3A_789, %dma_start3A_790, %dma_start3A_796] : memref<4x2x80xi32, #tpu.memory_space<vmem>> -> memref<1x1x80xi32, #tpu.memory_space<vmem>>
      %dma_start3A_798 = tpu.memref_squeeze %dma_start3A_797 : memref<1x1x80xi32, #tpu.memory_space<vmem>> -> memref<80xi32, #tpu.memory_space<vmem>>
      %dma_start3A_799 = arith.constant 0 : i32
      %dma_start3A_800 = arith.constant 0 : i32
      %dma_start3A_801 = tpu.memref_slice %arg2[%dma_start3A_799, %dma_start3A_800] : memref<20000x128xf32, #tpu.memory_space<hbm>> -> memref<20000x128xf32, #tpu.memory_space<hbm>>
      tpu.enqueue_indirect_dma source(%dma_start3A_801 : memref<20000x128xf32, #tpu.memory_space<hbm>>) target(%dma_start3A_795 : memref<80x128xf32, #tpu.memory_space<vmem>>) offsets(%dma_start3A_798 : memref<80xi32, #tpu.memory_space<vmem>>) semaphore(%arg13 : memref<!tpu.dma_semaphore, #tpu.memory_space<semaphore_mem>>)
      %dma_wait3A_802 = arith.constant 0 : i32
      %dma_wait3A_803 = arith.constant 2 : i32
      %dma_wait3A_804 = arith.constant 0 : i32
      %dma_wait3A_805 = arith.constant 0 : i32
      %dma_wait3A_806 = tpu.memref_slice %arg5[%dma_wait3A_803, %dma_wait3A_804, %dma_wait3A_805] : memref<4x2x80xi32, #tpu.memory_space<vmem>> -> memref<1x2x80xi32, #tpu.memory_space<vmem>>
      %dma_wait3A_807 = tpu.memref_squeeze %dma_wait3A_806 : memref<1x2x80xi32, #tpu.memory_space<vmem>> -> memref<2x80xi32, #tpu.memory_space<vmem>>
      %dma_wait3A_808 = arith.constant 0 : i32
      %dma_wait3A_809 = arith.constant 0 : i32
      %dma_wait3A_810 = tpu.memref_slice %arg3[%add3A, %dma_wait3A_802, %dma_wait3A_808, %dma_wait3A_809] : memref<32x125x2x80xi32, #tpu.memory_space<hbm>> -> memref<1x1x2x80xi32, #tpu.memory_space<hbm>>
      %dma_wait3A_811 = tpu.memref_squeeze %dma_wait3A_810 : memref<1x1x2x80xi32, #tpu.memory_space<hbm>> -> memref<2x80xi32, #tpu.memory_space<hbm>>
      %dma_wait3A_812 = arith.constant 0 : i32
      %dma_wait3A_813 = arith.constant 0 : i32
      %dma_wait3A_814 = tpu.memref_slice %arg5[%dma_wait3A_803, %dma_wait3A_812, %dma_wait3A_813] : memref<4x2x80xi32, #tpu.memory_space<vmem>> -> memref<1x2x80xi32, #tpu.memory_space<vmem>>
      %dma_wait3A_815 = tpu.memref_squeeze %dma_wait3A_814 : memref<1x2x80xi32, #tpu.memory_space<vmem>> -> memref<2x80xi32, #tpu.memory_space<vmem>>
      %dma_wait3A_816 = arith.constant 0 : i32
      %dma_wait3A_817 = arith.constant 0 : i32
      %dma_wait3A_818 = tpu.memref_slice %arg3[%add3A, %dma_wait3A_802, %dma_wait3A_816, %dma_wait3A_817] : memref<32x125x2x80xi32, #tpu.memory_space<hbm>> -> memref<1x1x2x80xi32, #tpu.memory_space<hbm>>
      %dma_wait3A_819 = tpu.memref_squeeze %dma_wait3A_818 : memref<1x1x2x80xi32, #tpu.memory_space<hbm>> -> memref<2x80xi32, #tpu.memory_space<hbm>>
      tpu.wait_dma2 semaphore(%arg10 : memref<!tpu.dma_semaphore, #tpu.memory_space<semaphore_mem>>) src(%dma_wait3A_819 : memref<2x80xi32, #tpu.memory_space<hbm>>) dst(%dma_wait3A_815 : memref<2x80xi32, #tpu.memory_space<vmem>>)
      %dma_start3A_820 = arith.constant 2 : i32
      %dma_start3A_821 = arith.constant 0 : i32
      %dma_start3A_822 = arith.constant 2 : i32
      %dma_start3A_823 = arith.constant 0 : i32
      %dma_start3A_824 = arith.constant 0 : i32
      %dma_start3A_825 = tpu.memref_slice %arg6[%dma_start3A_822, %dma_start3A_823, %dma_start3A_824] : memref<4x80x128xf32, #tpu.memory_space<vmem>> -> memref<1x80x128xf32, #tpu.memory_space<vmem>>
      %dma_start3A_826 = tpu.memref_squeeze %dma_start3A_825 : memref<1x80x128xf32, #tpu.memory_space<vmem>> -> memref<80x128xf32, #tpu.memory_space<vmem>>
      %dma_start3A_827 = arith.constant 0 : i32
      %dma_start3A_828 = tpu.memref_slice %arg5[%dma_start3A_820, %dma_start3A_821, %dma_start3A_827] : memref<4x2x80xi32, #tpu.memory_space<vmem>> -> memref<1x1x80xi32, #tpu.memory_space<vmem>>
      %dma_start3A_829 = tpu.memref_squeeze %dma_start3A_828 : memref<1x1x80xi32, #tpu.memory_space<vmem>> -> memref<80xi32, #tpu.memory_space<vmem>>
      %dma_start3A_830 = arith.constant 0 : i32
      %dma_start3A_831 = arith.constant 0 : i32
      %dma_start3A_832 = tpu.memref_slice %arg2[%dma_start3A_830, %dma_start3A_831] : memref<20000x128xf32, #tpu.memory_space<hbm>> -> memref<20000x128xf32, #tpu.memory_space<hbm>>
      tpu.enqueue_indirect_dma source(%dma_start3A_832 : memref<20000x128xf32, #tpu.memory_space<hbm>>) target(%dma_start3A_826 : memref<80x128xf32, #tpu.memory_space<vmem>>) offsets(%dma_start3A_829 : memref<80xi32, #tpu.memory_space<vmem>>) semaphore(%arg14 : memref<!tpu.dma_semaphore, #tpu.memory_space<semaphore_mem>>)
      %dma_wait3A_833 = arith.constant 0 : i32
      %dma_wait3A_834 = arith.constant 3 : i32
      %dma_wait3A_835 = arith.constant 0 : i32
      %dma_wait3A_836 = arith.constant 0 : i32
      %dma_wait3A_837 = tpu.memref_slice %arg5[%dma_wait3A_834, %dma_wait3A_835, %dma_wait3A_836] : memref<4x2x80xi32, #tpu.memory_space<vmem>> -> memref<1x2x80xi32, #tpu.memory_space<vmem>>
      %dma_wait3A_838 = tpu.memref_squeeze %dma_wait3A_837 : memref<1x2x80xi32, #tpu.memory_space<vmem>> -> memref<2x80xi32, #tpu.memory_space<vmem>>
      %dma_wait3A_839 = arith.constant 0 : i32
      %dma_wait3A_840 = arith.constant 0 : i32
      %dma_wait3A_841 = tpu.memref_slice %arg3[%add3A, %dma_wait3A_833, %dma_wait3A_839, %dma_wait3A_840] : memref<32x125x2x80xi32, #tpu.memory_space<hbm>> -> memref<1x1x2x80xi32, #tpu.memory_space<hbm>>
      %dma_wait3A_842 = tpu.memref_squeeze %dma_wait3A_841 : memref<1x1x2x80xi32, #tpu.memory_space<hbm>> -> memref<2x80xi32, #tpu.memory_space<hbm>>
      %dma_wait3A_843 = arith.constant 0 : i32
      %dma_wait3A_844 = arith.constant 0 : i32
      %dma_wait3A_845 = tpu.memref_slice %arg5[%dma_wait3A_834, %dma_wait3A_843, %dma_wait3A_844] : memref<4x2x80xi32, #tpu.memory_space<vmem>> -> memref<1x2x80xi32, #tpu.memory_space<vmem>>
      %dma_wait3A_846 = tpu.memref_squeeze %dma_wait3A_845 : memref<1x2x80xi32, #tpu.memory_space<vmem>> -> memref<2x80xi32, #tpu.memory_space<vmem>>
      %dma_wait3A_847 = arith.constant 0 : i32
      %dma_wait3A_848 = arith.constant 0 : i32
      %dma_wait3A_849 = tpu.memref_slice %arg3[%add3A, %dma_wait3A_833, %dma_wait3A_847, %dma_wait3A_848] : memref<32x125x2x80xi32, #tpu.memory_space<hbm>> -> memref<1x1x2x80xi32, #tpu.memory_space<hbm>>
      %dma_wait3A_850 = tpu.memref_squeeze %dma_wait3A_849 : memref<1x1x2x80xi32, #tpu.memory_space<hbm>> -> memref<2x80xi32, #tpu.memory_space<hbm>>
      tpu.wait_dma2 semaphore(%arg11 : memref<!tpu.dma_semaphore, #tpu.memory_space<semaphore_mem>>) src(%dma_wait3A_850 : memref<2x80xi32, #tpu.memory_space<hbm>>) dst(%dma_wait3A_846 : memref<2x80xi32, #tpu.memory_space<vmem>>)
      %dma_start3A_851 = arith.constant 3 : i32
      %dma_start3A_852 = arith.constant 0 : i32
      %dma_start3A_853 = arith.constant 3 : i32
      %dma_start3A_854 = arith.constant 0 : i32
      %dma_start3A_855 = arith.constant 0 : i32
      %dma_start3A_856 = tpu.memref_slice %arg6[%dma_start3A_853, %dma_start3A_854, %dma_start3A_855] : memref<4x80x128xf32, #tpu.memory_space<vmem>> -> memref<1x80x128xf32, #tpu.memory_space<vmem>>
      %dma_start3A_857 = tpu.memref_squeeze %dma_start3A_856 : memref<1x80x128xf32, #tpu.memory_space<vmem>> -> memref<80x128xf32, #tpu.memory_space<vmem>>
      %dma_start3A_858 = arith.constant 0 : i32
      %dma_start3A_859 = tpu.memref_slice %arg5[%dma_start3A_851, %dma_start3A_852, %dma_start3A_858] : memref<4x2x80xi32, #tpu.memory_space<vmem>> -> memref<1x1x80xi32, #tpu.memory_space<vmem>>
      %dma_start3A_860 = tpu.memref_squeeze %dma_start3A_859 : memref<1x1x80xi32, #tpu.memory_space<vmem>> -> memref<80xi32, #tpu.memory_space<vmem>>
      %dma_start3A_861 = arith.constant 0 : i32
      %dma_start3A_862 = arith.constant 0 : i32
      %dma_start3A_863 = tpu.memref_slice %arg2[%dma_start3A_861, %dma_start3A_862] : memref<20000x128xf32, #tpu.memory_space<hbm>> -> memref<20000x128xf32, #tpu.memory_space<hbm>>
      tpu.enqueue_indirect_dma source(%dma_start3A_863 : memref<20000x128xf32, #tpu.memory_space<hbm>>) target(%dma_start3A_857 : memref<80x128xf32, #tpu.memory_space<vmem>>) offsets(%dma_start3A_860 : memref<80xi32, #tpu.memory_space<vmem>>) semaphore(%arg15 : memref<!tpu.dma_semaphore, #tpu.memory_space<semaphore_mem>>)
    }
    %scan3A_245 = arith.constant 30 : i32
    %dma_wait3A_246 = arith.constant 0 : i32
    %dma_wait3A_247 = arith.constant 0 : i32
    %dma_wait3A_248 = arith.constant 0 : i32
    %dma_wait3A_249 = arith.constant 0 : i32
    %dma_wait3A_250 = arith.constant 0 : i32
    %dma_wait3A_251 = tpu.memref_slice %arg6[%dma_wait3A_248, %dma_wait3A_249, %dma_wait3A_250] : memref<4x80x128xf32, #tpu.memory_space<vmem>> -> memref<1x80x128xf32, #tpu.memory_space<vmem>>
    %dma_wait3A_252 = tpu.memref_squeeze %dma_wait3A_251 : memref<1x80x128xf32, #tpu.memory_space<vmem>> -> memref<80x128xf32, #tpu.memory_space<vmem>>
    %dma_wait3A_253 = arith.constant 0 : i32
    %dma_wait3A_254 = tpu.memref_slice %arg5[%dma_wait3A_246, %dma_wait3A_247, %dma_wait3A_253] : memref<4x2x80xi32, #tpu.memory_space<vmem>> -> memref<1x1x80xi32, #tpu.memory_space<vmem>>
    %dma_wait3A_255 = tpu.memref_squeeze %dma_wait3A_254 : memref<1x1x80xi32, #tpu.memory_space<vmem>> -> memref<80xi32, #tpu.memory_space<vmem>>
    %dma_wait3A_256 = arith.constant 0 : i32
    %dma_wait3A_257 = arith.constant 0 : i32
    %dma_wait3A_258 = tpu.memref_slice %arg2[%dma_wait3A_256, %dma_wait3A_257] : memref<20000x128xf32, #tpu.memory_space<hbm>> -> memref<20000x128xf32, #tpu.memory_space<hbm>>
    tpu.wait_indirect_dma semaphore(%arg12 : memref<!tpu.dma_semaphore, #tpu.memory_space<semaphore_mem>>) src(%dma_wait3A_258 : memref<20000x128xf32, #tpu.memory_space<hbm>>) dst(%dma_wait3A_252 : memref<80x128xf32, #tpu.memory_space<vmem>>)
    %dma_start3A_259 = arith.constant 0 : i32
    %dma_start3A_260 = arith.constant 0 : i32
    %dma_start3A_261 = arith.constant 1 : i32
    %dma_start3A_262 = arith.constant 0 : i32
    %dma_start3A_263 = arith.constant 0 : i32
    %dma_start3A_264 = tpu.memref_slice %arg6[%dma_start3A_259, %dma_start3A_262, %dma_start3A_263] : memref<4x80x128xf32, #tpu.memory_space<vmem>> -> memref<1x80x128xf32, #tpu.memory_space<vmem>>
    %dma_start3A_265 = tpu.memref_squeeze %dma_start3A_264 : memref<1x80x128xf32, #tpu.memory_space<vmem>> -> memref<80x128xf32, #tpu.memory_space<vmem>>
    %dma_start3A_266 = arith.constant 0 : i32
    %dma_start3A_267 = tpu.memref_slice %arg5[%dma_start3A_260, %dma_start3A_261, %dma_start3A_266] : memref<4x2x80xi32, #tpu.memory_space<vmem>> -> memref<1x1x80xi32, #tpu.memory_space<vmem>>
    %dma_start3A_268 = tpu.memref_squeeze %dma_start3A_267 : memref<1x1x80xi32, #tpu.memory_space<vmem>> -> memref<80xi32, #tpu.memory_space<vmem>>
    %dma_start3A_269 = arith.constant 0 : i32
    %dma_start3A_270 = arith.constant 0 : i32
    %dma_start3A_271 = tpu.memref_slice %arg7[%dma_start3A_269, %dma_start3A_270] : memref<10000x128xf32, #tpu.memory_space<vmem_shared>> -> memref<10000x128xf32, #tpu.memory_space<vmem_shared>>
    tpu.enqueue_indirect_dma source(%dma_start3A_265 : memref<80x128xf32, #tpu.memory_space<vmem>>) target(%dma_start3A_271 : memref<10000x128xf32, #tpu.memory_space<vmem_shared>>) offsets(%dma_start3A_268 : memref<80xi32, #tpu.memory_space<vmem>>) semaphore(%arg16 : memref<!tpu.dma_semaphore, #tpu.memory_space<semaphore_mem>>) {add = true}
    %dma_wait3A_272 = arith.constant 0 : i32
    %dma_wait3A_273 = arith.constant 0 : i32
    %dma_wait3A_274 = arith.constant 1 : i32
    %dma_wait3A_275 = arith.constant 0 : i32
    %dma_wait3A_276 = arith.constant 0 : i32
    %dma_wait3A_277 = tpu.memref_slice %arg6[%dma_wait3A_274, %dma_wait3A_275, %dma_wait3A_276] : memref<4x80x128xf32, #tpu.memory_space<vmem>> -> memref<1x80x128xf32, #tpu.memory_space<vmem>>
    %dma_wait3A_278 = tpu.memref_squeeze %dma_wait3A_277 : memref<1x80x128xf32, #tpu.memory_space<vmem>> -> memref<80x128xf32, #tpu.memory_space<vmem>>
    %dma_wait3A_279 = arith.constant 0 : i32
    %dma_wait3A_280 = tpu.memref_slice %arg5[%dma_wait3A_272, %dma_wait3A_273, %dma_wait3A_279] : memref<4x2x80xi32, #tpu.memory_space<vmem>> -> memref<1x1x80xi32, #tpu.memory_space<vmem>>
    %dma_wait3A_281 = tpu.memref_squeeze %dma_wait3A_280 : memref<1x1x80xi32, #tpu.memory_space<vmem>> -> memref<80xi32, #tpu.memory_space<vmem>>
    %dma_wait3A_282 = arith.constant 0 : i32
    %dma_wait3A_283 = arith.constant 0 : i32
    %dma_wait3A_284 = tpu.memref_slice %arg2[%dma_wait3A_282, %dma_wait3A_283] : memref<20000x128xf32, #tpu.memory_space<hbm>> -> memref<20000x128xf32, #tpu.memory_space<hbm>>
    tpu.wait_indirect_dma semaphore(%arg13 : memref<!tpu.dma_semaphore, #tpu.memory_space<semaphore_mem>>) src(%dma_wait3A_284 : memref<20000x128xf32, #tpu.memory_space<hbm>>) dst(%dma_wait3A_278 : memref<80x128xf32, #tpu.memory_space<vmem>>)
    %dma_start3A_285 = arith.constant 1 : i32
    %dma_start3A_286 = arith.constant 1 : i32
    %dma_start3A_287 = arith.constant 1 : i32
    %dma_start3A_288 = arith.constant 0 : i32
    %dma_start3A_289 = arith.constant 0 : i32
    %dma_start3A_290 = tpu.memref_slice %arg6[%dma_start3A_285, %dma_start3A_288, %dma_start3A_289] : memref<4x80x128xf32, #tpu.memory_space<vmem>> -> memref<1x80x128xf32, #tpu.memory_space<vmem>>
    %dma_start3A_291 = tpu.memref_squeeze %dma_start3A_290 : memref<1x80x128xf32, #tpu.memory_space<vmem>> -> memref<80x128xf32, #tpu.memory_space<vmem>>
    %dma_start3A_292 = arith.constant 0 : i32
    %dma_start3A_293 = tpu.memref_slice %arg5[%dma_start3A_286, %dma_start3A_287, %dma_start3A_292] : memref<4x2x80xi32, #tpu.memory_space<vmem>> -> memref<1x1x80xi32, #tpu.memory_space<vmem>>
    %dma_start3A_294 = tpu.memref_squeeze %dma_start3A_293 : memref<1x1x80xi32, #tpu.memory_space<vmem>> -> memref<80xi32, #tpu.memory_space<vmem>>
    %dma_start3A_295 = arith.constant 0 : i32
    %dma_start3A_296 = arith.constant 0 : i32
    %dma_start3A_297 = tpu.memref_slice %arg7[%dma_start3A_295, %dma_start3A_296] : memref<10000x128xf32, #tpu.memory_space<vmem_shared>> -> memref<10000x128xf32, #tpu.memory_space<vmem_shared>>
    tpu.enqueue_indirect_dma source(%dma_start3A_291 : memref<80x128xf32, #tpu.memory_space<vmem>>) target(%dma_start3A_297 : memref<10000x128xf32, #tpu.memory_space<vmem_shared>>) offsets(%dma_start3A_294 : memref<80xi32, #tpu.memory_space<vmem>>) semaphore(%arg17 : memref<!tpu.dma_semaphore, #tpu.memory_space<semaphore_mem>>) {add = true}
    %dma_wait3A_298 = arith.constant 0 : i32
    %dma_wait3A_299 = arith.constant 0 : i32
    %dma_wait3A_300 = arith.constant 2 : i32
    %dma_wait3A_301 = arith.constant 0 : i32
    %dma_wait3A_302 = arith.constant 0 : i32
    %dma_wait3A_303 = tpu.memref_slice %arg6[%dma_wait3A_300, %dma_wait3A_301, %dma_wait3A_302] : memref<4x80x128xf32, #tpu.memory_space<vmem>> -> memref<1x80x128xf32, #tpu.memory_space<vmem>>
    %dma_wait3A_304 = tpu.memref_squeeze %dma_wait3A_303 : memref<1x80x128xf32, #tpu.memory_space<vmem>> -> memref<80x128xf32, #tpu.memory_space<vmem>>
    %dma_wait3A_305 = arith.constant 0 : i32
    %dma_wait3A_306 = tpu.memref_slice %arg5[%dma_wait3A_298, %dma_wait3A_299, %dma_wait3A_305] : memref<4x2x80xi32, #tpu.memory_space<vmem>> -> memref<1x1x80xi32, #tpu.memory_space<vmem>>
    %dma_wait3A_307 = tpu.memref_squeeze %dma_wait3A_306 : memref<1x1x80xi32, #tpu.memory_space<vmem>> -> memref<80xi32, #tpu.memory_space<vmem>>
    %dma_wait3A_308 = arith.constant 0 : i32
    %dma_wait3A_309 = arith.constant 0 : i32
    %dma_wait3A_310 = tpu.memref_slice %arg2[%dma_wait3A_308, %dma_wait3A_309] : memref<20000x128xf32, #tpu.memory_space<hbm>> -> memref<20000x128xf32, #tpu.memory_space<hbm>>
    tpu.wait_indirect_dma semaphore(%arg14 : memref<!tpu.dma_semaphore, #tpu.memory_space<semaphore_mem>>) src(%dma_wait3A_310 : memref<20000x128xf32, #tpu.memory_space<hbm>>) dst(%dma_wait3A_304 : memref<80x128xf32, #tpu.memory_space<vmem>>)
    %dma_start3A_311 = arith.constant 2 : i32
    %dma_start3A_312 = arith.constant 2 : i32
    %dma_start3A_313 = arith.constant 1 : i32
    %dma_start3A_314 = arith.constant 0 : i32
    %dma_start3A_315 = arith.constant 0 : i32
    %dma_start3A_316 = tpu.memref_slice %arg6[%dma_start3A_311, %dma_start3A_314, %dma_start3A_315] : memref<4x80x128xf32, #tpu.memory_space<vmem>> -> memref<1x80x128xf32, #tpu.memory_space<vmem>>
    %dma_start3A_317 = tpu.memref_squeeze %dma_start3A_316 : memref<1x80x128xf32, #tpu.memory_space<vmem>> -> memref<80x128xf32, #tpu.memory_space<vmem>>
    %dma_start3A_318 = arith.constant 0 : i32
    %dma_start3A_319 = tpu.memref_slice %arg5[%dma_start3A_312, %dma_start3A_313, %dma_start3A_318] : memref<4x2x80xi32, #tpu.memory_space<vmem>> -> memref<1x1x80xi32, #tpu.memory_space<vmem>>
    %dma_start3A_320 = tpu.memref_squeeze %dma_start3A_319 : memref<1x1x80xi32, #tpu.memory_space<vmem>> -> memref<80xi32, #tpu.memory_space<vmem>>
    %dma_start3A_321 = arith.constant 0 : i32
    %dma_start3A_322 = arith.constant 0 : i32
    %dma_start3A_323 = tpu.memref_slice %arg7[%dma_start3A_321, %dma_start3A_322] : memref<10000x128xf32, #tpu.memory_space<vmem_shared>> -> memref<10000x128xf32, #tpu.memory_space<vmem_shared>>
    tpu.enqueue_indirect_dma source(%dma_start3A_317 : memref<80x128xf32, #tpu.memory_space<vmem>>) target(%dma_start3A_323 : memref<10000x128xf32, #tpu.memory_space<vmem_shared>>) offsets(%dma_start3A_320 : memref<80xi32, #tpu.memory_space<vmem>>) semaphore(%arg18 : memref<!tpu.dma_semaphore, #tpu.memory_space<semaphore_mem>>) {add = true}
    %dma_wait3A_324 = arith.constant 0 : i32
    %dma_wait3A_325 = arith.constant 0 : i32
    %dma_wait3A_326 = arith.constant 3 : i32
    %dma_wait3A_327 = arith.constant 0 : i32
    %dma_wait3A_328 = arith.constant 0 : i32
    %dma_wait3A_329 = tpu.memref_slice %arg6[%dma_wait3A_326, %dma_wait3A_327, %dma_wait3A_328] : memref<4x80x128xf32, #tpu.memory_space<vmem>> -> memref<1x80x128xf32, #tpu.memory_space<vmem>>
    %dma_wait3A_330 = tpu.memref_squeeze %dma_wait3A_329 : memref<1x80x128xf32, #tpu.memory_space<vmem>> -> memref<80x128xf32, #tpu.memory_space<vmem>>
    %dma_wait3A_331 = arith.constant 0 : i32
    %dma_wait3A_332 = tpu.memref_slice %arg5[%dma_wait3A_324, %dma_wait3A_325, %dma_wait3A_331] : memref<4x2x80xi32, #tpu.memory_space<vmem>> -> memref<1x1x80xi32, #tpu.memory_space<vmem>>
    %dma_wait3A_333 = tpu.memref_squeeze %dma_wait3A_332 : memref<1x1x80xi32, #tpu.memory_space<vmem>> -> memref<80xi32, #tpu.memory_space<vmem>>
    %dma_wait3A_334 = arith.constant 0 : i32
    %dma_wait3A_335 = arith.constant 0 : i32
    %dma_wait3A_336 = tpu.memref_slice %arg2[%dma_wait3A_334, %dma_wait3A_335] : memref<20000x128xf32, #tpu.memory_space<hbm>> -> memref<20000x128xf32, #tpu.memory_space<hbm>>
    tpu.wait_indirect_dma semaphore(%arg15 : memref<!tpu.dma_semaphore, #tpu.memory_space<semaphore_mem>>) src(%dma_wait3A_336 : memref<20000x128xf32, #tpu.memory_space<hbm>>) dst(%dma_wait3A_330 : memref<80x128xf32, #tpu.memory_space<vmem>>)
    %dma_start3A_337 = arith.constant 3 : i32
    %dma_start3A_338 = arith.constant 3 : i32
    %dma_start3A_339 = arith.constant 1 : i32
    %dma_start3A_340 = arith.constant 0 : i32
    %dma_start3A_341 = arith.constant 0 : i32
    %dma_start3A_342 = tpu.memref_slice %arg6[%dma_start3A_337, %dma_start3A_340, %dma_start3A_341] : memref<4x80x128xf32, #tpu.memory_space<vmem>> -> memref<1x80x128xf32, #tpu.memory_space<vmem>>
    %dma_start3A_343 = tpu.memref_squeeze %dma_start3A_342 : memref<1x80x128xf32, #tpu.memory_space<vmem>> -> memref<80x128xf32, #tpu.memory_space<vmem>>
    %dma_start3A_344 = arith.constant 0 : i32
    %dma_start3A_345 = tpu.memref_slice %arg5[%dma_start3A_338, %dma_start3A_339, %dma_start3A_344] : memref<4x2x80xi32, #tpu.memory_space<vmem>> -> memref<1x1x80xi32, #tpu.memory_space<vmem>>
    %dma_start3A_346 = tpu.memref_squeeze %dma_start3A_345 : memref<1x1x80xi32, #tpu.memory_space<vmem>> -> memref<80xi32, #tpu.memory_space<vmem>>
    %dma_start3A_347 = arith.constant 0 : i32
    %dma_start3A_348 = arith.constant 0 : i32
    %dma_start3A_349 = tpu.memref_slice %arg7[%dma_start3A_347, %dma_start3A_348] : memref<10000x128xf32, #tpu.memory_space<vmem_shared>> -> memref<10000x128xf32, #tpu.memory_space<vmem_shared>>
    tpu.enqueue_indirect_dma source(%dma_start3A_343 : memref<80x128xf32, #tpu.memory_space<vmem>>) target(%dma_start3A_349 : memref<10000x128xf32, #tpu.memory_space<vmem_shared>>) offsets(%dma_start3A_346 : memref<80xi32, #tpu.memory_space<vmem>>) semaphore(%arg19 : memref<!tpu.dma_semaphore, #tpu.memory_space<semaphore_mem>>) {add = true}
    %dma_wait3A_350 = arith.constant 0 : i32
    %dma_wait3A_351 = arith.constant 0 : i32
    %dma_wait3A_352 = arith.constant 1 : i32
    %dma_wait3A_353 = arith.constant 0 : i32
    %dma_wait3A_354 = arith.constant 0 : i32
    %dma_wait3A_355 = tpu.memref_slice %arg6[%dma_wait3A_350, %dma_wait3A_353, %dma_wait3A_354] : memref<4x80x128xf32, #tpu.memory_space<vmem>> -> memref<1x80x128xf32, #tpu.memory_space<vmem>>
    %dma_wait3A_356 = tpu.memref_squeeze %dma_wait3A_355 : memref<1x80x128xf32, #tpu.memory_space<vmem>> -> memref<80x128xf32, #tpu.memory_space<vmem>>
    %dma_wait3A_357 = arith.constant 0 : i32
    %dma_wait3A_358 = tpu.memref_slice %arg5[%dma_wait3A_351, %dma_wait3A_352, %dma_wait3A_357] : memref<4x2x80xi32, #tpu.memory_space<vmem>> -> memref<1x1x80xi32, #tpu.memory_space<vmem>>
    %dma_wait3A_359 = tpu.memref_squeeze %dma_wait3A_358 : memref<1x1x80xi32, #tpu.memory_space<vmem>> -> memref<80xi32, #tpu.memory_space<vmem>>
    %dma_wait3A_360 = arith.constant 0 : i32
    %dma_wait3A_361 = arith.constant 0 : i32
    %dma_wait3A_362 = tpu.memref_slice %arg7[%dma_wait3A_360, %dma_wait3A_361] : memref<10000x128xf32, #tpu.memory_space<vmem_shared>> -> memref<10000x128xf32, #tpu.memory_space<vmem_shared>>
    tpu.wait_indirect_dma semaphore(%arg16 : memref<!tpu.dma_semaphore, #tpu.memory_space<semaphore_mem>>) src(%dma_wait3A_356 : memref<80x128xf32, #tpu.memory_space<vmem>>) dst(%dma_wait3A_362 : memref<10000x128xf32, #tpu.memory_space<vmem_shared>>)
    %dma_start3A_363 = arith.constant 124 : i32
    %dma_start3A_364 = arith.constant 0 : i32
    %dma_start3A_365 = arith.constant 0 : i32
    %dma_start3A_366 = arith.constant 0 : i32
    %dma_start3A_367 = tpu.memref_slice %arg5[%dma_start3A_364, %dma_start3A_365, %dma_start3A_366] : memref<4x2x80xi32, #tpu.memory_space<vmem>> -> memref<1x2x80xi32, #tpu.memory_space<vmem>>
    %dma_start3A_368 = tpu.memref_squeeze %dma_start3A_367 : memref<1x2x80xi32, #tpu.memory_space<vmem>> -> memref<2x80xi32, #tpu.memory_space<vmem>>
    %dma_start3A_369 = arith.constant 0 : i32
    %dma_start3A_370 = arith.constant 0 : i32
    %dma_start3A_371 = tpu.memref_slice %arg3[%add3A, %dma_start3A_363, %dma_start3A_369, %dma_start3A_370] : memref<32x125x2x80xi32, #tpu.memory_space<hbm>> -> memref<1x1x2x80xi32, #tpu.memory_space<hbm>>
    %dma_start3A_372 = tpu.memref_squeeze %dma_start3A_371 : memref<1x1x2x80xi32, #tpu.memory_space<hbm>> -> memref<2x80xi32, #tpu.memory_space<hbm>>
    %dma_start3A_373 = arith.constant 0 : i32
    %dma_start3A_374 = arith.constant 0 : i32
    %dma_start3A_375 = tpu.memref_slice %arg5[%dma_start3A_364, %dma_start3A_373, %dma_start3A_374] : memref<4x2x80xi32, #tpu.memory_space<vmem>> -> memref<1x2x80xi32, #tpu.memory_space<vmem>>
    %dma_start3A_376 = tpu.memref_squeeze %dma_start3A_375 : memref<1x2x80xi32, #tpu.memory_space<vmem>> -> memref<2x80xi32, #tpu.memory_space<vmem>>
    %dma_start3A_377 = arith.constant 0 : i32
    %dma_start3A_378 = arith.constant 0 : i32
    %dma_start3A_379 = tpu.memref_slice %arg3[%add3A, %dma_start3A_363, %dma_start3A_377, %dma_start3A_378] : memref<32x125x2x80xi32, #tpu.memory_space<hbm>> -> memref<1x1x2x80xi32, #tpu.memory_space<hbm>>
    %dma_start3A_380 = tpu.memref_squeeze %dma_start3A_379 : memref<1x1x2x80xi32, #tpu.memory_space<hbm>> -> memref<2x80xi32, #tpu.memory_space<hbm>>
    tpu.enqueue_dma source(%dma_start3A_380 : memref<2x80xi32, #tpu.memory_space<hbm>>) target(%dma_start3A_376 : memref<2x80xi32, #tpu.memory_space<vmem>>) target_semaphore(%arg8 : memref<!tpu.dma_semaphore, #tpu.memory_space<semaphore_mem>>)
    %dma_wait3A_381 = arith.constant 0 : i32
    %dma_wait3A_382 = arith.constant 0 : i32
    %dma_wait3A_383 = arith.constant 0 : i32
    %dma_wait3A_384 = arith.constant 0 : i32
    %dma_wait3A_385 = tpu.memref_slice %arg5[%dma_wait3A_382, %dma_wait3A_383, %dma_wait3A_384] : memref<4x2x80xi32, #tpu.memory_space<vmem>> -> memref<1x2x80xi32, #tpu.memory_space<vmem>>
    %dma_wait3A_386 = tpu.memref_squeeze %dma_wait3A_385 : memref<1x2x80xi32, #tpu.memory_space<vmem>> -> memref<2x80xi32, #tpu.memory_space<vmem>>
    %dma_wait3A_387 = arith.constant 0 : i32
    %dma_wait3A_388 = arith.constant 0 : i32
    %dma_wait3A_389 = tpu.memref_slice %arg3[%add3A, %dma_wait3A_381, %dma_wait3A_387, %dma_wait3A_388] : memref<32x125x2x80xi32, #tpu.memory_space<hbm>> -> memref<1x1x2x80xi32, #tpu.memory_space<hbm>>
    %dma_wait3A_390 = tpu.memref_squeeze %dma_wait3A_389 : memref<1x1x2x80xi32, #tpu.memory_space<hbm>> -> memref<2x80xi32, #tpu.memory_space<hbm>>
    %dma_wait3A_391 = arith.constant 0 : i32
    %dma_wait3A_392 = arith.constant 0 : i32
    %dma_wait3A_393 = tpu.memref_slice %arg5[%dma_wait3A_382, %dma_wait3A_391, %dma_wait3A_392] : memref<4x2x80xi32, #tpu.memory_space<vmem>> -> memref<1x2x80xi32, #tpu.memory_space<vmem>>
    %dma_wait3A_394 = tpu.memref_squeeze %dma_wait3A_393 : memref<1x2x80xi32, #tpu.memory_space<vmem>> -> memref<2x80xi32, #tpu.memory_space<vmem>>
    %dma_wait3A_395 = arith.constant 0 : i32
    %dma_wait3A_396 = arith.constant 0 : i32
    %dma_wait3A_397 = tpu.memref_slice %arg3[%add3A, %dma_wait3A_381, %dma_wait3A_395, %dma_wait3A_396] : memref<32x125x2x80xi32, #tpu.memory_space<hbm>> -> memref<1x1x2x80xi32, #tpu.memory_space<hbm>>
    %dma_wait3A_398 = tpu.memref_squeeze %dma_wait3A_397 : memref<1x1x2x80xi32, #tpu.memory_space<hbm>> -> memref<2x80xi32, #tpu.memory_space<hbm>>
    tpu.wait_dma2 semaphore(%arg8 : memref<!tpu.dma_semaphore, #tpu.memory_space<semaphore_mem>>) src(%dma_wait3A_398 : memref<2x80xi32, #tpu.memory_space<hbm>>) dst(%dma_wait3A_394 : memref<2x80xi32, #tpu.memory_space<vmem>>)
    %dma_start3A_399 = arith.constant 0 : i32
    %dma_start3A_400 = arith.constant 0 : i32
    %dma_start3A_401 = arith.constant 0 : i32
    %dma_start3A_402 = arith.constant 0 : i32
    %dma_start3A_403 = arith.constant 0 : i32
    %dma_start3A_404 = tpu.memref_slice %arg6[%dma_start3A_401, %dma_start3A_402, %dma_start3A_403] : memref<4x80x128xf32, #tpu.memory_space<vmem>> -> memref<1x80x128xf32, #tpu.memory_space<vmem>>
    %dma_start3A_405 = tpu.memref_squeeze %dma_start3A_404 : memref<1x80x128xf32, #tpu.memory_space<vmem>> -> memref<80x128xf32, #tpu.memory_space<vmem>>
    %dma_start3A_406 = arith.constant 0 : i32
    %dma_start3A_407 = tpu.memref_slice %arg5[%dma_start3A_399, %dma_start3A_400, %dma_start3A_406] : memref<4x2x80xi32, #tpu.memory_space<vmem>> -> memref<1x1x80xi32, #tpu.memory_space<vmem>>
    %dma_start3A_408 = tpu.memref_squeeze %dma_start3A_407 : memref<1x1x80xi32, #tpu.memory_space<vmem>> -> memref<80xi32, #tpu.memory_space<vmem>>
    %dma_start3A_409 = arith.constant 0 : i32
    %dma_start3A_410 = arith.constant 0 : i32
    %dma_start3A_411 = tpu.memref_slice %arg2[%dma_start3A_409, %dma_start3A_410] : memref<20000x128xf32, #tpu.memory_space<hbm>> -> memref<20000x128xf32, #tpu.memory_space<hbm>>
    tpu.enqueue_indirect_dma source(%dma_start3A_411 : memref<20000x128xf32, #tpu.memory_space<hbm>>) target(%dma_start3A_405 : memref<80x128xf32, #tpu.memory_space<vmem>>) offsets(%dma_start3A_408 : memref<80xi32, #tpu.memory_space<vmem>>) semaphore(%arg12 : memref<!tpu.dma_semaphore, #tpu.memory_space<semaphore_mem>>)
    %dma_wait3A_412 = arith.constant 0 : i32
    %dma_wait3A_413 = arith.constant 0 : i32
    %dma_wait3A_414 = arith.constant 0 : i32
    %dma_wait3A_415 = arith.constant 0 : i32
    %dma_wait3A_416 = arith.constant 0 : i32
    %dma_wait3A_417 = tpu.memref_slice %arg6[%dma_wait3A_414, %dma_wait3A_415, %dma_wait3A_416] : memref<4x80x128xf32, #tpu.memory_space<vmem>> -> memref<1x80x128xf32, #tpu.memory_space<vmem>>
    %dma_wait3A_418 = tpu.memref_squeeze %dma_wait3A_417 : memref<1x80x128xf32, #tpu.memory_space<vmem>> -> memref<80x128xf32, #tpu.memory_space<vmem>>
    %dma_wait3A_419 = arith.constant 0 : i32
    %dma_wait3A_420 = tpu.memref_slice %arg5[%dma_wait3A_412, %dma_wait3A_413, %dma_wait3A_419] : memref<4x2x80xi32, #tpu.memory_space<vmem>> -> memref<1x1x80xi32, #tpu.memory_space<vmem>>
    %dma_wait3A_421 = tpu.memref_squeeze %dma_wait3A_420 : memref<1x1x80xi32, #tpu.memory_space<vmem>> -> memref<80xi32, #tpu.memory_space<vmem>>
    %dma_wait3A_422 = arith.constant 0 : i32
    %dma_wait3A_423 = arith.constant 0 : i32
    %dma_wait3A_424 = tpu.memref_slice %arg2[%dma_wait3A_422, %dma_wait3A_423] : memref<20000x128xf32, #tpu.memory_space<hbm>> -> memref<20000x128xf32, #tpu.memory_space<hbm>>
    tpu.wait_indirect_dma semaphore(%arg12 : memref<!tpu.dma_semaphore, #tpu.memory_space<semaphore_mem>>) src(%dma_wait3A_424 : memref<20000x128xf32, #tpu.memory_space<hbm>>) dst(%dma_wait3A_418 : memref<80x128xf32, #tpu.memory_space<vmem>>)
    %dma_start3A_425 = arith.constant 0 : i32
    %dma_start3A_426 = arith.constant 0 : i32
    %dma_start3A_427 = arith.constant 1 : i32
    %dma_start3A_428 = arith.constant 0 : i32
    %dma_start3A_429 = arith.constant 0 : i32
    %dma_start3A_430 = tpu.memref_slice %arg6[%dma_start3A_425, %dma_start3A_428, %dma_start3A_429] : memref<4x80x128xf32, #tpu.memory_space<vmem>> -> memref<1x80x128xf32, #tpu.memory_space<vmem>>
    %dma_start3A_431 = tpu.memref_squeeze %dma_start3A_430 : memref<1x80x128xf32, #tpu.memory_space<vmem>> -> memref<80x128xf32, #tpu.memory_space<vmem>>
    %dma_start3A_432 = arith.constant 0 : i32
    %dma_start3A_433 = tpu.memref_slice %arg5[%dma_start3A_426, %dma_start3A_427, %dma_start3A_432] : memref<4x2x80xi32, #tpu.memory_space<vmem>> -> memref<1x1x80xi32, #tpu.memory_space<vmem>>
    %dma_start3A_434 = tpu.memref_squeeze %dma_start3A_433 : memref<1x1x80xi32, #tpu.memory_space<vmem>> -> memref<80xi32, #tpu.memory_space<vmem>>
    %dma_start3A_435 = arith.constant 0 : i32
    %dma_start3A_436 = arith.constant 0 : i32
    %dma_start3A_437 = tpu.memref_slice %arg7[%dma_start3A_435, %dma_start3A_436] : memref<10000x128xf32, #tpu.memory_space<vmem_shared>> -> memref<10000x128xf32, #tpu.memory_space<vmem_shared>>
    tpu.enqueue_indirect_dma source(%dma_start3A_431 : memref<80x128xf32, #tpu.memory_space<vmem>>) target(%dma_start3A_437 : memref<10000x128xf32, #tpu.memory_space<vmem_shared>>) offsets(%dma_start3A_434 : memref<80xi32, #tpu.memory_space<vmem>>) semaphore(%arg16 : memref<!tpu.dma_semaphore, #tpu.memory_space<semaphore_mem>>) {add = true}
    %dma_wait3A_438 = arith.constant 0 : i32
    %dma_wait3A_439 = arith.constant 0 : i32
    %dma_wait3A_440 = arith.constant 1 : i32
    %dma_wait3A_441 = arith.constant 0 : i32
    %dma_wait3A_442 = arith.constant 0 : i32
    %dma_wait3A_443 = tpu.memref_slice %arg6[%dma_wait3A_438, %dma_wait3A_441, %dma_wait3A_442] : memref<4x80x128xf32, #tpu.memory_space<vmem>> -> memref<1x80x128xf32, #tpu.memory_space<vmem>>
    %dma_wait3A_444 = tpu.memref_squeeze %dma_wait3A_443 : memref<1x80x128xf32, #tpu.memory_space<vmem>> -> memref<80x128xf32, #tpu.memory_space<vmem>>
    %dma_wait3A_445 = arith.constant 0 : i32
    %dma_wait3A_446 = tpu.memref_slice %arg5[%dma_wait3A_439, %dma_wait3A_440, %dma_wait3A_445] : memref<4x2x80xi32, #tpu.memory_space<vmem>> -> memref<1x1x80xi32, #tpu.memory_space<vmem>>
    %dma_wait3A_447 = tpu.memref_squeeze %dma_wait3A_446 : memref<1x1x80xi32, #tpu.memory_space<vmem>> -> memref<80xi32, #tpu.memory_space<vmem>>
    %dma_wait3A_448 = arith.constant 0 : i32
    %dma_wait3A_449 = arith.constant 0 : i32
    %dma_wait3A_450 = tpu.memref_slice %arg7[%dma_wait3A_448, %dma_wait3A_449] : memref<10000x128xf32, #tpu.memory_space<vmem_shared>> -> memref<10000x128xf32, #tpu.memory_space<vmem_shared>>
    tpu.wait_indirect_dma semaphore(%arg16 : memref<!tpu.dma_semaphore, #tpu.memory_space<semaphore_mem>>) src(%dma_wait3A_444 : memref<80x128xf32, #tpu.memory_space<vmem>>) dst(%dma_wait3A_450 : memref<10000x128xf32, #tpu.memory_space<vmem_shared>>)
    %dma_wait3A_451 = arith.constant 1 : i32
    %dma_wait3A_452 = arith.constant 0 : i32
    %dma_wait3A_453 = arith.constant 1 : i32
    %dma_wait3A_454 = arith.constant 0 : i32
    %dma_wait3A_455 = arith.constant 0 : i32
    %dma_wait3A_456 = tpu.memref_slice %arg6[%dma_wait3A_451, %dma_wait3A_454, %dma_wait3A_455] : memref<4x80x128xf32, #tpu.memory_space<vmem>> -> memref<1x80x128xf32, #tpu.memory_space<vmem>>
    %dma_wait3A_457 = tpu.memref_squeeze %dma_wait3A_456 : memref<1x80x128xf32, #tpu.memory_space<vmem>> -> memref<80x128xf32, #tpu.memory_space<vmem>>
    %dma_wait3A_458 = arith.constant 0 : i32
    %dma_wait3A_459 = tpu.memref_slice %arg5[%dma_wait3A_452, %dma_wait3A_453, %dma_wait3A_458] : memref<4x2x80xi32, #tpu.memory_space<vmem>> -> memref<1x1x80xi32, #tpu.memory_space<vmem>>
    %dma_wait3A_460 = tpu.memref_squeeze %dma_wait3A_459 : memref<1x1x80xi32, #tpu.memory_space<vmem>> -> memref<80xi32, #tpu.memory_space<vmem>>
    %dma_wait3A_461 = arith.constant 0 : i32
    %dma_wait3A_462 = arith.constant 0 : i32
    %dma_wait3A_463 = tpu.memref_slice %arg7[%dma_wait3A_461, %dma_wait3A_462] : memref<10000x128xf32, #tpu.memory_space<vmem_shared>> -> memref<10000x128xf32, #tpu.memory_space<vmem_shared>>
    tpu.wait_indirect_dma semaphore(%arg17 : memref<!tpu.dma_semaphore, #tpu.memory_space<semaphore_mem>>) src(%dma_wait3A_457 : memref<80x128xf32, #tpu.memory_space<vmem>>) dst(%dma_wait3A_463 : memref<10000x128xf32, #tpu.memory_space<vmem_shared>>)
    %dma_wait3A_464 = arith.constant 2 : i32
    %dma_wait3A_465 = arith.constant 0 : i32
    %dma_wait3A_466 = arith.constant 1 : i32
    %dma_wait3A_467 = arith.constant 0 : i32
    %dma_wait3A_468 = arith.constant 0 : i32
    %dma_wait3A_469 = tpu.memref_slice %arg6[%dma_wait3A_464, %dma_wait3A_467, %dma_wait3A_468] : memref<4x80x128xf32, #tpu.memory_space<vmem>> -> memref<1x80x128xf32, #tpu.memory_space<vmem>>
    %dma_wait3A_470 = tpu.memref_squeeze %dma_wait3A_469 : memref<1x80x128xf32, #tpu.memory_space<vmem>> -> memref<80x128xf32, #tpu.memory_space<vmem>>
    %dma_wait3A_471 = arith.constant 0 : i32
    %dma_wait3A_472 = tpu.memref_slice %arg5[%dma_wait3A_465, %dma_wait3A_466, %dma_wait3A_471] : memref<4x2x80xi32, #tpu.memory_space<vmem>> -> memref<1x1x80xi32, #tpu.memory_space<vmem>>
    %dma_wait3A_473 = tpu.memref_squeeze %dma_wait3A_472 : memref<1x1x80xi32, #tpu.memory_space<vmem>> -> memref<80xi32, #tpu.memory_space<vmem>>
    %dma_wait3A_474 = arith.constant 0 : i32
    %dma_wait3A_475 = arith.constant 0 : i32
    %dma_wait3A_476 = tpu.memref_slice %arg7[%dma_wait3A_474, %dma_wait3A_475] : memref<10000x128xf32, #tpu.memory_space<vmem_shared>> -> memref<10000x128xf32, #tpu.memory_space<vmem_shared>>
    tpu.wait_indirect_dma semaphore(%arg18 : memref<!tpu.dma_semaphore, #tpu.memory_space<semaphore_mem>>) src(%dma_wait3A_470 : memref<80x128xf32, #tpu.memory_space<vmem>>) dst(%dma_wait3A_476 : memref<10000x128xf32, #tpu.memory_space<vmem_shared>>)
    %dma_wait3A_477 = arith.constant 3 : i32
    %dma_wait3A_478 = arith.constant 0 : i32
    %dma_wait3A_479 = arith.constant 1 : i32
    %dma_wait3A_480 = arith.constant 0 : i32
    %dma_wait3A_481 = arith.constant 0 : i32
    %dma_wait3A_482 = tpu.memref_slice %arg6[%dma_wait3A_477, %dma_wait3A_480, %dma_wait3A_481] : memref<4x80x128xf32, #tpu.memory_space<vmem>> -> memref<1x80x128xf32, #tpu.memory_space<vmem>>
    %dma_wait3A_483 = tpu.memref_squeeze %dma_wait3A_482 : memref<1x80x128xf32, #tpu.memory_space<vmem>> -> memref<80x128xf32, #tpu.memory_space<vmem>>
    %dma_wait3A_484 = arith.constant 0 : i32
    %dma_wait3A_485 = tpu.memref_slice %arg5[%dma_wait3A_478, %dma_wait3A_479, %dma_wait3A_484] : memref<4x2x80xi32, #tpu.memory_space<vmem>> -> memref<1x1x80xi32, #tpu.memory_space<vmem>>
    %dma_wait3A_486 = tpu.memref_squeeze %dma_wait3A_485 : memref<1x1x80xi32, #tpu.memory_space<vmem>> -> memref<80xi32, #tpu.memory_space<vmem>>
    %dma_wait3A_487 = arith.constant 0 : i32
    %dma_wait3A_488 = arith.constant 0 : i32
    %dma_wait3A_489 = tpu.memref_slice %arg7[%dma_wait3A_487, %dma_wait3A_488] : memref<10000x128xf32, #tpu.memory_space<vmem_shared>> -> memref<10000x128xf32, #tpu.memory_space<vmem_shared>>
    tpu.wait_indirect_dma semaphore(%arg19 : memref<!tpu.dma_semaphore, #tpu.memory_space<semaphore_mem>>) src(%dma_wait3A_483 : memref<80x128xf32, #tpu.memory_space<vmem>>) dst(%dma_wait3A_489 : memref<10000x128xf32, #tpu.memory_space<vmem_shared>>)
    %barrier3A_490 = arith.constant 0 : index
    tpu.barrier barrier_id(%barrier3A_490)
    %mul3A_491 = arith.constant 624 : i32
    %mul3A_492 = arith.muli %arg1, %mul3A_491 : i32
    %mul3A_493 = arith.constant 624 : i32
    %mul3A_494 = arith.muli %arg1, %mul3A_493 : i32
    "tpu.region"() ({
      %run_scoped3A_497 = tpu.sem_alloc : memref<!tpu.dma_semaphore, #tpu.memory_space<semaphore_mem>>
      %dma_start3A_498 = arith.constant 0 : i32
      %dma_start3A_499 = tpu.memref_slice %arg4[%arg0, %mul3A_494, %dma_start3A_498] : memref<2x10000x128xf32, #tpu.memory_space<hbm>> -> memref<1x624x128xf32, #tpu.memory_space<hbm>>
      %dma_start3A_500 = tpu.memref_squeeze %dma_start3A_499 : memref<1x624x128xf32, #tpu.memory_space<hbm>> -> memref<624x128xf32, #tpu.memory_space<hbm>>
      %dma_start3A_501 = arith.constant 0 : i32
      %dma_start3A_502 = tpu.memref_slice %arg7[%mul3A_492, %dma_start3A_501] : memref<10000x128xf32, #tpu.memory_space<vmem_shared>> -> memref<624x128xf32, #tpu.memory_space<vmem_shared>>
      tpu.enqueue_dma source(%dma_start3A_502 : memref<624x128xf32, #tpu.memory_space<vmem_shared>>) target(%dma_start3A_500 : memref<624x128xf32, #tpu.memory_space<hbm>>) target_semaphore(%run_scoped3A_497 : memref<!tpu.dma_semaphore, #tpu.memory_space<semaphore_mem>>)
      %dma_wait3A_503 = arith.constant 0 : i32
      %dma_wait3A_504 = tpu.memref_slice %arg4[%arg0, %mul3A_494, %dma_wait3A_503] : memref<2x10000x128xf32, #tpu.memory_space<hbm>> -> memref<1x624x128xf32, #tpu.memory_space<hbm>>
      %dma_wait3A_505 = tpu.memref_squeeze %dma_wait3A_504 : memref<1x624x128xf32, #tpu.memory_space<hbm>> -> memref<624x128xf32, #tpu.memory_space<hbm>>
      %dma_wait3A_506 = arith.constant 0 : i32
      %dma_wait3A_507 = tpu.memref_slice %arg7[%mul3A_492, %dma_wait3A_506] : memref<10000x128xf32, #tpu.memory_space<vmem_shared>> -> memref<624x128xf32, #tpu.memory_space<vmem_shared>>
      tpu.wait_dma2 semaphore(%run_scoped3A_497 : memref<!tpu.dma_semaphore, #tpu.memory_space<semaphore_mem>>) src(%dma_wait3A_507 : memref<624x128xf32, #tpu.memory_space<vmem_shared>>) dst(%dma_wait3A_505 : memref<624x128xf32, #tpu.memory_space<hbm>>)
      tpu.yield
    }) : () -> ()
    %eq3A = arith.constant 0 : i32
    %eq3A_495 = arith.cmpi eq, %arg1, %eq3A : i32
    %convert_element_type3A = arith.extui %eq3A_495 : i1 to i32
    %cond3A = arith.constant 0 : i32
    %cond3A_496 = arith.cmpi ne, %convert_element_type3A, %cond3A : i32
    scf.if %cond3A_496 {
      "tpu.region"() ({
        %run_scoped3A_497 = tpu.sem_alloc : memref<!tpu.dma_semaphore, #tpu.memory_space<semaphore_mem>>
        %dma_start3A_498 = arith.constant 9984 : i32
        %dma_start3A_499 = arith.constant 0 : i32
        %dma_start3A_500 = tpu.memref_slice %arg4[%arg0, %dma_start3A_498, %dma_start3A_499] : memref<2x10000x128xf32, #tpu.memory_space<hbm>> -> memref<1x16x128xf32, #tpu.memory_space<hbm>>
        %dma_start3A_501 = tpu.memref_squeeze %dma_start3A_500 : memref<1x16x128xf32, #tpu.memory_space<hbm>> -> memref<16x128xf32, #tpu.memory_space<hbm>>
        %dma_start3A_502 = arith.constant 9984 : i32
        %dma_start3A_503 = arith.constant 0 : i32
        %dma_start3A_504 = tpu.memref_slice %arg7[%dma_start3A_502, %dma_start3A_503] : memref<10000x128xf32, #tpu.memory_space<vmem_shared>> -> memref<16x128xf32, #tpu.memory_space<vmem_shared>>
        tpu.enqueue_dma source(%dma_start3A_504 : memref<16x128xf32, #tpu.memory_space<vmem_shared>>) target(%dma_start3A_501 : memref<16x128xf32, #tpu.memory_space<hbm>>) target_semaphore(%run_scoped3A_497 : memref<!tpu.dma_semaphore, #tpu.memory_space<semaphore_mem>>)
        %dma_wait3A_505 = arith.constant 9984 : i32
        %dma_wait3A_506 = arith.constant 0 : i32
        %dma_wait3A_507 = tpu.memref_slice %arg4[%arg0, %dma_wait3A_505, %dma_wait3A_506] : memref<2x10000x128xf32, #tpu.memory_space<hbm>> -> memref<1x16x128xf32, #tpu.memory_space<hbm>>
        %dma_wait3A_508 = tpu.memref_squeeze %dma_wait3A_507 : memref<1x16x128xf32, #tpu.memory_space<hbm>> -> memref<16x128xf32, #tpu.memory_space<hbm>>
        %dma_wait3A_509 = arith.constant 9984 : i32
        %dma_wait3A_510 = arith.constant 0 : i32
        %dma_wait3A_511 = tpu.memref_slice %arg7[%dma_wait3A_509, %dma_wait3A_510] : memref<10000x128xf32, #tpu.memory_space<vmem_shared>> -> memref<16x128xf32, #tpu.memory_space<vmem_shared>>
        tpu.wait_dma2 semaphore(%run_scoped3A_497 : memref<!tpu.dma_semaphore, #tpu.memory_space<semaphore_mem>>) src(%dma_wait3A_511 : memref<16x128xf32, #tpu.memory_space<vmem_shared>>) dst(%dma_wait3A_508 : memref<16x128xf32, #tpu.memory_space<hbm>>)
        tpu.yield
      }) : () -> ()
    } else {
    }
    return
  }
}

module attributes {stable_mosaic.version = 14 : i64} {
  func.func @_proj_body(%arg0: memref<10000x128xf32, #tpu.memory_space<vmem>>, %arg1: memref<128x128xf32, #tpu.memory_space<vmem>>, %arg2: memref<1x128xf32, #tpu.memory_space<vmem>>, %arg3: memref<10000x1xf32, #tpu.memory_space<vmem>>, %arg4: memref<10000x1xf32, #tpu.memory_space<vmem>>, %arg5: memref<20000x128xf32, #tpu.memory_space<vmem>>) attributes {dimension_semantics = [], scalar_prefetch = 0 : i64, scratch_operands = 0 : i64, tpu.core_type = #tpu.core_type<tc>} {
    %get3A = arith.constant 0 : index
    %get3A_0 = arith.constant 0 : index
    %get3A_1 = vector.load %arg0[%get3A, %get3A_0] : memref<10000x128xf32, #tpu.memory_space<vmem>>, vector<10000x128xf32>
    %get3A_2 = arith.constant 0 : index
    %get3A_3 = arith.constant 0 : index
    %get3A_4 = vector.load %arg1[%get3A_2, %get3A_3] : memref<128x128xf32, #tpu.memory_space<vmem>>, vector<128x128xf32>
    %dot_general3A = arith.constant dense<0.000000e+00> : vector<10000x128xf32>
    %dot_general3A_5 = tpu.matmul %get3A_1, %get3A_4, %dot_general3A {dimension_numbers = #tpu.dot_dimension_numbers<[1], [0], [0], [1], [0, 0, 1, 1], [], []>, transpose_lhs_hint = false} : vector<10000x128xf32>, vector<128x128xf32>, vector<10000x128xf32> -> vector<10000x128xf32>
    %get3A_6 = arith.constant 0 : index
    %get3A_7 = arith.constant 0 : index
    %get3A_8 = vector.load %arg2[%get3A_6, %get3A_7] : memref<1x128xf32, #tpu.memory_space<vmem>>, vector<1x128xf32>
    %add3A = vector.broadcast %get3A_8 : vector<1x128xf32> to vector<10000x128xf32>
    %add3A_9 = arith.addf %dot_general3A_5, %add3A : vector<10000x128xf32>
    %get3A_10 = arith.constant 0 : index
    %get3A_11 = arith.constant 0 : index
    %get3A_12 = vector.load %arg3[%get3A_10, %get3A_11] : memref<10000x1xf32, #tpu.memory_space<vmem>>, vector<10000x1xf32>
    %mul3A = vector.broadcast %get3A_12 : vector<10000x1xf32> to vector<10000x128xf32>
    %mul3A_13 = arith.mulf %add3A_9, %mul3A : vector<10000x128xf32>
    %swap3A = arith.constant 0 : index
    %swap3A_14 = arith.constant 0 : index
    %swap3A_15 = vector.load %arg5[%swap3A, %swap3A_14] : memref<20000x128xf32, #tpu.memory_space<vmem>>, vector<10000x128xf32>
    tpu.vector_store %arg5[%swap3A, %swap3A_14], %mul3A_13 {strides = array<i32>} : memref<20000x128xf32, #tpu.memory_space<vmem>>, vector<10000x128xf32>,
    %get3A_16 = arith.constant 0 : index
    %get3A_17 = arith.constant 0 : index
    %get3A_18 = vector.load %arg4[%get3A_16, %get3A_17] : memref<10000x1xf32, #tpu.memory_space<vmem>>, vector<10000x1xf32>
    %mul3A_19 = vector.broadcast %get3A_18 : vector<10000x1xf32> to vector<10000x128xf32>
    %mul3A_20 = arith.mulf %add3A_9, %mul3A_19 : vector<10000x128xf32>
    %swap3A_21 = arith.constant 10000 : index
    %swap3A_22 = arith.constant 0 : index
    %swap3A_23 = vector.load %arg5[%swap3A_21, %swap3A_22] : memref<20000x128xf32, #tpu.memory_space<vmem>>, vector<10000x128xf32>
    tpu.vector_store %arg5[%swap3A_21, %swap3A_22], %mul3A_20 {strides = array<i32>} : memref<20000x128xf32, #tpu.memory_space<vmem>>, vector<10000x128xf32>,
    return
  }
}

module attributes {stable_mosaic.version = 14 : i64} {
  func.func @_layer_body(%arg0: memref<20000x128xf32, #tpu.memory_space<vmem>>, %arg1: memref<2x10000x128xf32, #tpu.memory_space<vmem>>, %arg2: memref<128x128xf32, #tpu.memory_space<vmem>>, %arg3: memref<1x128xf32, #tpu.memory_space<vmem>>, %arg4: memref<1x128xf32, #tpu.memory_space<vmem>>, %arg5: memref<1x128xf32, #tpu.memory_space<vmem>>, %arg6: memref<128x128xf32, #tpu.memory_space<vmem>>, %arg7: memref<1x128xf32, #tpu.memory_space<vmem>>, %arg8: memref<1x1xf32, #tpu.memory_space<vmem>>, %arg9: memref<20000x128xf32, #tpu.memory_space<vmem>>) attributes {dimension_semantics = [], scalar_prefetch = 0 : i64, scratch_operands = 0 : i64, tpu.core_type = #tpu.core_type<tc>} {
    %get3A = arith.constant 0 : index
    %get3A_0 = arith.constant 0 : index
    %get3A_1 = vector.load %arg8[%get3A, %get3A_0] : memref<1x1xf32, #tpu.memory_space<vmem>>, vector<1x1xf32>
    %add3A = arith.constant 1.000000e+00 : f32
    %add3A_2 = vector.broadcast %add3A : f32 to vector<1x1xf32>
    %add3A_3 = arith.addf %add3A_2, %get3A_1 : vector<1x1xf32>
    %get3A_4 = arith.constant 0 : index
    %get3A_5 = arith.constant 0 : index
    %get3A_6 = vector.load %arg0[%get3A_4, %get3A_5] : memref<20000x128xf32, #tpu.memory_space<vmem>>, vector<10000x128xf32>
    %get3A_7 = arith.constant 10000 : index
    %get3A_8 = arith.constant 0 : index
    %get3A_9 = vector.load %arg0[%get3A_7, %get3A_8] : memref<20000x128xf32, #tpu.memory_space<vmem>>, vector<10000x128xf32>
    %mul3A = vector.broadcast %add3A_3 : vector<1x1xf32> to vector<10000x128xf32>
    %mul3A_10 = arith.mulf %get3A_6, %mul3A : vector<10000x128xf32>
    %get3A_11 = arith.constant 0 : index
    %get3A_12 = arith.constant 0 : index
    %get3A_13 = arith.constant 0 : index
    %get3A_14 = vector.load %arg1[%get3A_11, %get3A_12, %get3A_13] : memref<2x10000x128xf32, #tpu.memory_space<vmem>>, vector<1x10000x128xf32>
    %get3A_15 = vector.shape_cast %get3A_14 : vector<1x10000x128xf32> to vector<10000x128xf32>
    %get3A_16 = arith.constant 1 : index
    %get3A_17 = arith.constant 0 : index
    %get3A_18 = arith.constant 0 : index
    %get3A_19 = vector.load %arg1[%get3A_16, %get3A_17, %get3A_18] : memref<2x10000x128xf32, #tpu.memory_space<vmem>>, vector<1x10000x128xf32>
    %get3A_20 = vector.shape_cast %get3A_19 : vector<1x10000x128xf32> to vector<10000x128xf32>
    %add3A_21 = arith.addf %get3A_15, %get3A_20 : vector<10000x128xf32>
    %add3A_22 = arith.addf %mul3A_10, %add3A_21 : vector<10000x128xf32>
    %mul3A_23 = vector.broadcast %add3A_3 : vector<1x1xf32> to vector<10000x128xf32>
    %mul3A_24 = arith.mulf %get3A_9, %mul3A_23 : vector<10000x128xf32>
    %get3A_25 = arith.constant 0 : index
    %get3A_26 = arith.constant 0 : index
    %get3A_27 = vector.load %arg2[%get3A_25, %get3A_26] : memref<128x128xf32, #tpu.memory_space<vmem>>, vector<128x128xf32>
    %dot_general3A = arith.constant dense<0.000000e+00> : vector<10000x128xf32>
    %dot_general3A_28 = tpu.matmul %add3A_22, %get3A_27, %dot_general3A {dimension_numbers = #tpu.dot_dimension_numbers<[1], [0], [0], [1], [0, 0, 1, 1], [], []>, transpose_lhs_hint = false} : vector<10000x128xf32>, vector<128x128xf32>, vector<10000x128xf32> -> vector<10000x128xf32>
    %get3A_29 = arith.constant 0 : index
    %get3A_30 = arith.constant 0 : index
    %get3A_31 = vector.load %arg3[%get3A_29, %get3A_30] : memref<1x128xf32, #tpu.memory_space<vmem>>, vector<1x128xf32>
    %add3A_32 = vector.broadcast %get3A_31 : vector<1x128xf32> to vector<10000x128xf32>
    %add3A_33 = arith.addf %dot_general3A_28, %add3A_32 : vector<10000x128xf32>
    %get3A_34 = arith.constant 0 : index
    %get3A_35 = arith.constant 0 : index
    %get3A_36 = vector.load %arg2[%get3A_34, %get3A_35] : memref<128x128xf32, #tpu.memory_space<vmem>>, vector<128x128xf32>
    %dot_general3A_37 = arith.constant dense<0.000000e+00> : vector<10000x128xf32>
    %dot_general3A_38 = tpu.matmul %mul3A_24, %get3A_36, %dot_general3A_37 {dimension_numbers = #tpu.dot_dimension_numbers<[1], [0], [0], [1], [0, 0, 1, 1], [], []>, transpose_lhs_hint = false} : vector<10000x128xf32>, vector<128x128xf32>, vector<10000x128xf32> -> vector<10000x128xf32>
    %get3A_39 = arith.constant 0 : index
    %get3A_40 = arith.constant 0 : index
    %get3A_41 = vector.load %arg3[%get3A_39, %get3A_40] : memref<1x128xf32, #tpu.memory_space<vmem>>, vector<1x128xf32>
    %add3A_42 = vector.broadcast %get3A_41 : vector<1x128xf32> to vector<10000x128xf32>
    %add3A_43 = arith.addf %dot_general3A_38, %add3A_42 : vector<10000x128xf32>
    %reduce_sum3A = arith.constant dense<0.000000e+00> : vector<128xf32>
    %reduce_sum3A_44 = vector.multi_reduction <add>, %add3A_33, %reduce_sum3A [0] : vector<10000x128xf32> to vector<128xf32>
    %broadcast_in_dim3A = vector.shape_cast %reduce_sum3A_44 : vector<128xf32> to vector<1x128xf32>
    %reduce_sum3A_45 = arith.constant dense<0.000000e+00> : vector<128xf32>
    %reduce_sum3A_46 = vector.multi_reduction <add>, %add3A_43, %reduce_sum3A_45 [0] : vector<10000x128xf32> to vector<128xf32>
    %broadcast_in_dim3A_47 = vector.shape_cast %reduce_sum3A_46 : vector<128xf32> to vector<1x128xf32>
    %add3A_48 = arith.addf %broadcast_in_dim3A, %broadcast_in_dim3A_47 : vector<1x128xf32>
    %mul3A_49 = arith.constant 5.000000e-05 : f32
    %mul3A_50 = vector.broadcast %mul3A_49 : f32 to vector<1x128xf32>
    %mul3A_51 = arith.mulf %add3A_48, %mul3A_50 : vector<1x128xf32>
    %sub3A = vector.broadcast %mul3A_51 : vector<1x128xf32> to vector<10000x128xf32>
    %sub3A_52 = arith.subf %add3A_33, %sub3A : vector<10000x128xf32>
    %sub3A_53 = vector.broadcast %mul3A_51 : vector<1x128xf32> to vector<10000x128xf32>
    %sub3A_54 = arith.subf %add3A_43, %sub3A_53 : vector<10000x128xf32>
    %mul3A_55 = arith.mulf %sub3A_52, %sub3A_52 : vector<10000x128xf32>
    %reduce_sum3A_56 = arith.constant dense<0.000000e+00> : vector<128xf32>
    %reduce_sum3A_57 = vector.multi_reduction <add>, %mul3A_55, %reduce_sum3A_56 [0] : vector<10000x128xf32> to vector<128xf32>
    %broadcast_in_dim3A_58 = vector.shape_cast %reduce_sum3A_57 : vector<128xf32> to vector<1x128xf32>
    %mul3A_59 = arith.mulf %sub3A_54, %sub3A_54 : vector<10000x128xf32>
    %reduce_sum3A_60 = arith.constant dense<0.000000e+00> : vector<128xf32>
    %reduce_sum3A_61 = vector.multi_reduction <add>, %mul3A_59, %reduce_sum3A_60 [0] : vector<10000x128xf32> to vector<128xf32>
    %broadcast_in_dim3A_62 = vector.shape_cast %reduce_sum3A_61 : vector<128xf32> to vector<1x128xf32>
    %add3A_63 = arith.addf %broadcast_in_dim3A_58, %broadcast_in_dim3A_62 : vector<1x128xf32>
    %mul3A_64 = arith.constant 5.000000e-05 : f32
    %mul3A_65 = vector.broadcast %mul3A_64 : f32 to vector<1x128xf32>
    %mul3A_66 = arith.mulf %add3A_63, %mul3A_65 : vector<1x128xf32>
    %add3A_67 = arith.constant 9.99999974E-6 : f32
    %add3A_68 = vector.broadcast %add3A_67 : f32 to vector<1x128xf32>
    %add3A_69 = arith.addf %mul3A_66, %add3A_68 : vector<1x128xf32>
    %rsqrt3A = math.rsqrt %add3A_69 : vector<1x128xf32>
    %get3A_70 = arith.constant 0 : index
    %get3A_71 = arith.constant 0 : index
    %get3A_72 = vector.load %arg4[%get3A_70, %get3A_71] : memref<1x128xf32, #tpu.memory_space<vmem>>, vector<1x128xf32>
    %mul3A_73 = arith.mulf %rsqrt3A, %get3A_72 : vector<1x128xf32>
    %mul3A_74 = vector.broadcast %mul3A_73 : vector<1x128xf32> to vector<10000x128xf32>
    %mul3A_75 = arith.mulf %sub3A_52, %mul3A_74 : vector<10000x128xf32>
    %get3A_76 = arith.constant 0 : index
    %get3A_77 = arith.constant 0 : index
    %get3A_78 = vector.load %arg5[%get3A_76, %get3A_77] : memref<1x128xf32, #tpu.memory_space<vmem>>, vector<1x128xf32>
    %add3A_79 = vector.broadcast %get3A_78 : vector<1x128xf32> to vector<10000x128xf32>
    %add3A_80 = arith.addf %mul3A_75, %add3A_79 : vector<10000x128xf32>
    %max3A = arith.constant 0.000000e+00 : f32
    %max3A_81 = vector.broadcast %max3A : f32 to vector<10000x128xf32>
    %max3A_82 = arith.maximumf %add3A_80, %max3A_81 : vector<10000x128xf32>
    %mul3A_83 = vector.broadcast %mul3A_73 : vector<1x128xf32> to vector<10000x128xf32>
    %mul3A_84 = arith.mulf %sub3A_54, %mul3A_83 : vector<10000x128xf32>
    %get3A_85 = arith.constant 0 : index
    %get3A_86 = arith.constant 0 : index
    %get3A_87 = vector.load %arg5[%get3A_85, %get3A_86] : memref<1x128xf32, #tpu.memory_space<vmem>>, vector<1x128xf32>
    %add3A_88 = vector.broadcast %get3A_87 : vector<1x128xf32> to vector<10000x128xf32>
    %add3A_89 = arith.addf %mul3A_84, %add3A_88 : vector<10000x128xf32>
    %max3A_90 = arith.constant 0.000000e+00 : f32
    %max3A_91 = vector.broadcast %max3A_90 : f32 to vector<10000x128xf32>
    %max3A_92 = arith.maximumf %add3A_89, %max3A_91 : vector<10000x128xf32>
    %get3A_93 = arith.constant 0 : index
    %get3A_94 = arith.constant 0 : index
    %get3A_95 = vector.load %arg6[%get3A_93, %get3A_94] : memref<128x128xf32, #tpu.memory_space<vmem>>, vector<128x128xf32>
    %dot_general3A_96 = arith.constant dense<0.000000e+00> : vector<10000x128xf32>
    %dot_general3A_97 = tpu.matmul %max3A_82, %get3A_95, %dot_general3A_96 {dimension_numbers = #tpu.dot_dimension_numbers<[1], [0], [0], [1], [0, 0, 1, 1], [], []>, transpose_lhs_hint = false} : vector<10000x128xf32>, vector<128x128xf32>, vector<10000x128xf32> -> vector<10000x128xf32>
    %get3A_98 = arith.constant 0 : index
    %get3A_99 = arith.constant 0 : index
    %get3A_100 = vector.load %arg7[%get3A_98, %get3A_99] : memref<1x128xf32, #tpu.memory_space<vmem>>, vector<1x128xf32>
    %add3A_101 = vector.broadcast %get3A_100 : vector<1x128xf32> to vector<10000x128xf32>
    %add3A_102 = arith.addf %dot_general3A_97, %add3A_101 : vector<10000x128xf32>
    %max3A_103 = arith.constant 0.000000e+00 : f32
    %max3A_104 = vector.broadcast %max3A_103 : f32 to vector<10000x128xf32>
    %max3A_105 = arith.maximumf %add3A_102, %max3A_104 : vector<10000x128xf32>
    %swap3A = arith.constant 0 : index
    %swap3A_106 = arith.constant 0 : index
    %swap3A_107 = vector.load %arg9[%swap3A, %swap3A_106] : memref<20000x128xf32, #tpu.memory_space<vmem>>, vector<10000x128xf32>
    tpu.vector_store %arg9[%swap3A, %swap3A_106], %max3A_105 {strides = array<i32>} : memref<20000x128xf32, #tpu.memory_space<vmem>>, vector<10000x128xf32>,
    %get3A_108 = arith.constant 0 : index
    %get3A_109 = arith.constant 0 : index
    %get3A_110 = vector.load %arg6[%get3A_108, %get3A_109] : memref<128x128xf32, #tpu.memory_space<vmem>>, vector<128x128xf32>
    %dot_general3A_111 = arith.constant dense<0.000000e+00> : vector<10000x128xf32>
    %dot_general3A_112 = tpu.matmul %max3A_92, %get3A_110, %dot_general3A_111 {dimension_numbers = #tpu.dot_dimension_numbers<[1], [0], [0], [1], [0, 0, 1, 1], [], []>, transpose_lhs_hint = false} : vector<10000x128xf32>, vector<128x128xf32>, vector<10000x128xf32> -> vector<10000x128xf32>
    %get3A_113 = arith.constant 0 : index
    %get3A_114 = arith.constant 0 : index
    %get3A_115 = vector.load %arg7[%get3A_113, %get3A_114] : memref<1x128xf32, #tpu.memory_space<vmem>>, vector<1x128xf32>
    %add3A_116 = vector.broadcast %get3A_115 : vector<1x128xf32> to vector<10000x128xf32>
    %add3A_117 = arith.addf %dot_general3A_112, %add3A_116 : vector<10000x128xf32>
    %max3A_118 = arith.constant 0.000000e+00 : f32
    %max3A_119 = vector.broadcast %max3A_118 : f32 to vector<10000x128xf32>
    %max3A_120 = arith.maximumf %add3A_117, %max3A_119 : vector<10000x128xf32>
    %swap3A_121 = arith.constant 10000 : index
    %swap3A_122 = arith.constant 0 : index
    %swap3A_123 = vector.load %arg9[%swap3A_121, %swap3A_122] : memref<20000x128xf32, #tpu.memory_space<vmem>>, vector<10000x128xf32>
    tpu.vector_store %arg9[%swap3A_121, %swap3A_122], %max3A_120 {strides = array<i32>} : memref<20000x128xf32, #tpu.memory_space<vmem>>, vector<10000x128xf32>,
    return
  }
}

module attributes {stable_mosaic.version = 14 : i64} {
  func.func @_fin_body(%arg0: memref<20000x128xf32, #tpu.memory_space<vmem>>, %arg1: memref<128x40xf32, #tpu.memory_space<vmem>>, %arg2: memref<1x40xf32, #tpu.memory_space<vmem>>, %arg3: memref<10000x40xf32, #tpu.memory_space<vmem>>) attributes {dimension_semantics = [], scalar_prefetch = 0 : i64, scratch_operands = 0 : i64, tpu.core_type = #tpu.core_type<tc>} {
    %get3A = arith.constant 0 : index
    %get3A_0 = arith.constant 0 : index
    %get3A_1 = vector.load %arg0[%get3A, %get3A_0] : memref<20000x128xf32, #tpu.memory_space<vmem>>, vector<10000x128xf32>
    %get3A_2 = arith.constant 10000 : index
    %get3A_3 = arith.constant 0 : index
    %get3A_4 = vector.load %arg0[%get3A_2, %get3A_3] : memref<20000x128xf32, #tpu.memory_space<vmem>>, vector<10000x128xf32>
    %add3A = arith.addf %get3A_1, %get3A_4 : vector<10000x128xf32>
    %mul3A = arith.constant 5.000000e-01 : f32
    %mul3A_5 = vector.broadcast %mul3A : f32 to vector<10000x128xf32>
    %mul3A_6 = arith.mulf %add3A, %mul3A_5 : vector<10000x128xf32>
    %get3A_7 = arith.constant 0 : index
    %get3A_8 = arith.constant 0 : index
    %get3A_9 = vector.load %arg1[%get3A_7, %get3A_8] : memref<128x40xf32, #tpu.memory_space<vmem>>, vector<128x40xf32>
    %dot_general3A = arith.constant dense<0.000000e+00> : vector<10000x40xf32>
    %dot_general3A_10 = tpu.matmul %mul3A_6, %get3A_9, %dot_general3A {dimension_numbers = #tpu.dot_dimension_numbers<[1], [0], [0], [1], [0, 0, 1, 1], [], []>, transpose_lhs_hint = false} : vector<10000x128xf32>, vector<128x40xf32>, vector<10000x40xf32> -> vector<10000x40xf32>
    %get3A_11 = arith.constant 0 : index
    %get3A_12 = arith.constant 0 : index
    %get3A_13 = vector.load %arg2[%get3A_11, %get3A_12] : memref<1x40xf32, #tpu.memory_space<vmem>>, vector<1x40xf32>
    %add3A_14 = vector.broadcast %get3A_13 : vector<1x40xf32> to vector<10000x40xf32>
    %add3A_15 = arith.addf %dot_general3A_10, %add3A_14 : vector<10000x40xf32>
    %swap3A = arith.constant 0 : index
    %swap3A_16 = arith.constant 0 : index
    %swap3A_17 = vector.load %arg3[%swap3A, %swap3A_16] : memref<10000x40xf32, #tpu.memory_space<vmem>>, vector<10000x40xf32>
    tpu.vector_store %arg3[%swap3A, %swap3A_16], %add3A_15 {strides = array<i32>} : memref<10000x40xf32, #tpu.memory_space<vmem>>, vector<10000x40xf32>,
    return
  }
}

</mosaic_0001>

<sc_bundles>
// kernel: body.8.cloned.1.call-start
scs
__scs_entry_jumppad:
0x0: {  	(pc) =	sbr.rel $0x88, $3  }
0x1: {  	(tag) =	ssettag $0x0;
	lr =	simm.s32 $0x1  }
0x2: {  	[smem:$0x3F8D] =	sst lr;
	_ =	strace $0xD0000000  }
0x3: {  	_ = 	snop  }
0x4: {  	_ = 	snop  }
0x5: {  	_ = 	snop  }
0x6: {  	_ = 	snop  }
0x7: {  	_ = 	snop  }
__scs_overlays_trampoline_lowered:
0x8: {  	[smem:$0x3F9C] =	sst s0  }
0x9: {  	[smem:$0x3F9D] =	sst s1  }
0xa: {  	[smem:$0x3F9E] =	sst s2  }
0xb: {  	[smem:$0x3F9F] =	sst s3  }
0xc: {  	[smem:$0x3FA0] =	sst s4  }
0xd: {  	[smem:$0x3FA1] =	sst s5  }
0xe: {  	[smem:$0x3FA2] =	sst s6  }
0xf: {  	[smem:$0x3FA3] =	sst s7  }
0x10: {  	[smem:$0x3FA4] =	sst s8  }
0x11: {  	[smem:$0x3FA5] =	sst s9;
	s0 =	simm.s32 @!p0 $0x0  }
0x12: {  	s1 =	sld [smem:$0x3F8B];
	s0 =	simm.s32 @p0 $0x1  }
0x13: {  	[smem:$0x3FA6] =	sst s0;
	s0 =	simm.s32 @!p1 $0x0  }
0x14: {  	s2 =	sld [smem:$0x3F8A];
	s0 =	simm.s32 @p1 $0x1  }
0x15: {  	[smem:$0x3FA7] =	sst s0;
	s0 =	simm.s32 @!p2 $0x0  }
0x16: {  	s3 =	sld [smem:$0x3FDB];
	s0 =	simm.s32 @p2 $0x1  }
0x17: {  	s4 =	simm.s32 $0x1BF5;
	[smem:$0x3FA9] =	sst s0  }
0x18: {  	s0 =	sld [smem:$0x3F8C];
	_ =	swait.ge [sflag:s4], $0x0  }
0x19: {  	s7 =	sld [smem:$0x3F8D]  }
0x1a: {  	s8 =	sadd.s32 $0xFFFFE003, lr  }
0x1b: {  	s9 =	sadd.s32 $0xFFFFFEF7, lr;
	s5 =	simm.s32 $0xFFFFFFFF;
	p2 =	slt.u32 s8, $0xFFFFF086  }
0x1c: {  	p1 =	slt.u32 s9, $0xF7A;
	s5 =	simm.s32 @!p2 $0x0  }
0x1d: {  	s5 =	simm.s32 @p1 $0x1;
	p0 =	seq.s32 s7, s2  }
0x1e: {  	s7 =	smul.u32 @!p0 $0xF7A, s2;
	p2 =	seq.s32 @!p0 s5, $0x0  }
0x1f: {  	s9 =	smul.u32 $0xF7A, s1;
	s8 =	simm.s32 @!p0 $0x1BF5;
	p2 =	por !p2, p0  }
0x20: {  	[sflag:s8] =	ssyncset.s32 @!p0 $0xFFFFF086;
	s6 =	sadd.s32 @!p0 s3, s7;
	s7 =	simm.s32 @!p0 $0x108  }
0x21: {  	s3 =	sadd.s32 s3, s9;
	s6 =	sadd.s32 @!p0 $0x88, s6;
	s7 =	simm.s32 @p2 $0x1082  }
0x22: {  	[simem:s7], [sflag:s8] =	dma.local @!p0 [hbm:s6], $0xF7A  }
0x23: {  	s9 =	sor.u32 $0xD0000000, s2;
	s6 =	simm.s32 $0x108;
	_ =	swait.ge @!p0 [sflag:s8], $0x0  }
0x24: {  	s3 =	sadd.s32 $0x88, s3;
	s6 =	simm.s32 @!p1 $0x1082;
	[sflag:s4] =	ssyncset.s32 $0xFFFFF086  }
0x25: {  	[simem:s6], [sflag:s4] =	dma.local [hbm:s3], $0xF7A  }
0x26: {  	[smem:$0x3F8D] =	sst s1;
	(tag) =	ssettag s2;
	_ =	strace s9  }
0x27: {  	s1 =	sld [smem:$0x3F9D]  }
0x28: {  	s2 =	sld [smem:$0x3F9E]  }
0x29: {  	s4 =	sld [smem:$0x3FA0]  }
0x2a: {  	p0 =	seq.s32 s5, $0x0;
	s5 =	sld [smem:$0x3FA1]  }
0x2b: {  	s6 =	sld [smem:$0x3FA2]  }
0x2c: {  	s7 =	sld [smem:$0x3FA3]  }
0x2d: {  	s3 =	simm.s32 $0x108;
	s8 =	sld [smem:$0x3FA4]  }
0x2e: {  	s3 =	simm.s32 @!p0 $0x1082;
	s9 =	sld [smem:$0x3FA5]  }
0x2f: {  	lr =	sadd.s32 s0, s3;
	s0 =	sld [smem:$0x3F9C]  }
0x30: {  	s3 =	sld [smem:$0x3F9F]  }
0x31: {  	[smem:$0x3FA8] =	sst s10  }
0x32: {  	s10 =	sld [smem:$0x3FA6];
	_ =	sdelay $0x3  }
0x33: {  	p0 =	seq.s32 s10, $0x1;
	s10 =	sld [smem:$0x3FA8];
	_ =	sdelay $0x3  }
0x34: {  	[smem:$0x3FA8] =	sst s10  }
0x35: {  	s10 =	sld [smem:$0x3FA7];
	_ =	sdelay $0x3  }
0x36: {  	p1 =	seq.s32 s10, $0x1;
	s10 =	sld [smem:$0x3FA8];
	_ =	sdelay $0x3  }
0x37: {  	[smem:$0x3FA8] =	sst s10  }
0x38: {  	s10 =	sld [smem:$0x3FA9]  }
0x39: {  	_ = 	snop;
	(pc) =	sbr.ind lr, $3  }
0x3a: {  	_ = 	snop  }
0x3b: {  	_ = 	snop  }
0x3c: {  	p2 =	seq.s32 s10, $0x1;
	s10 =	sld [smem:$0x3FA8]  }
0x3d: {  	_ =	shalt  }
0x3e: {  	_ =	shalt  }
0x3f: {  	_ =	shalt  }
0x40: {  	_ =	shalt  }
0x41: {  	_ =	shalt  }
0x42: {  	_ =	shalt  }
0x43: {  	_ =	shalt  }
0x44: {  	_ =	shalt  }
0x45: {  	_ =	shalt  }
0x46: {  	_ =	shalt  }
0x47: {  	_ =	shalt  }
0x48: {  	_ =	shalt  }
0x49: {  	_ =	shalt  }
0x4a: {  	_ =	shalt  }
0x4b: {  	_ =	shalt  }
0x4c: {  	_ =	shalt  }
0x4d: {  	_ =	shalt  }
0x4e: {  	_ =	shalt  }
0x4f: {  	_ =	shalt  }
0x50: {  	_ =	shalt  }
0x51: {  	_ =	shalt  }
0x52: {  	_ =	shalt  }
0x53: {  	_ =	shalt  }
0x54: {  	_ =	shalt  }
0x55: {  	_ =	shalt  }
0x56: {  	_ =	shalt  }
0x57: {  	_ =	shalt  }
0x58: {  	_ =	shalt  }
0x59: {  	_ =	shalt  }
0x5a: {  	_ =	shalt  }
0x5b: {  	_ =	shalt  }
0x5c: {  	_ =	shalt  }
0x5d: {  	_ =	shalt  }
0x5e: {  	_ =	shalt  }
0x5f: {  	_ =	shalt  }
0x60: {  	_ =	shalt  }
0x61: {  	_ =	shalt  }
0x62: {  	_ =	shalt  }
0x63: {  	_ =	shalt  }
0x64: {  	_ =	shalt  }
0x65: {  	_ =	shalt  }
0x66: {  	_ =	shalt  }
0x67: {  	_ =	shalt  }
0x68: {  	_ =	shalt  }
0x69: {  	_ =	shalt  }
0x6a: {  	_ =	shalt  }
0x6b: {  	_ =	shalt  }
0x6c: {  	_ =	shalt  }
0x6d: {  	_ =	shalt  }
0x6e: {  	_ =	shalt  }
0x6f: {  	_ =	shalt  }
0x70: {  	_ =	shalt  }
0x71: {  	_ =	shalt  }
0x72: {  	_ =	shalt  }
0x73: {  	_ =	shalt  }
0x74: {  	_ =	shalt  }
0x75: {  	_ =	shalt  }
0x76: {  	_ =	shalt  }
0x77: {  	_ =	shalt  }
0x78: {  	_ =	shalt  }
0x79: {  	_ =	shalt  }
0x7a: {  	_ =	shalt  }
0x7b: {  	_ =	shalt  }
0x7c: {  	_ =	shalt  }
0x7d: {  	_ =	shalt  }
0x7e: {  	_ =	shalt  }
0x7f: {  	_ =	shalt  }
0x80: {  	_ =	shalt  }
0x81: {  	_ =	shalt  }
0x82: {  	_ =	shalt  }
0x83: {  	_ =	shalt  }
0x84: {  	_ =	shalt  }
0x85: {  	_ =	shalt  }
0x86: {  	_ =	shalt  }
0x87: {  	_ =	shalt  }
.Lfunc_end0:
.L_simem_size_0:
called_computation_lowered:
.L_overlay_start_0:
0x88: {  	s2 =	sld [smem:$0x3FD9]  }
0x89: {  	s3 =	sld [smem:$0x3FFE];
	_ =	sdelay $0x1  }
0x8a: {  	s1 =	srdreg.scid  }
0x8b: {  	s0 =	sand.u32 $0x1, s1  }
0x8c: {  	s16 =	sshll.u32 s0, $0xA;
	s2 =	sadd.s32 s3, s2  }
0x8d: {  	s2 =	sadd.s32 s2, s16  }
0x8e: {  	[smem:$0x3FB4] =	sst s2  }
0x8f: {  	_ = 	snop  }
0x90: {  	(tm) =	ssettm $0x1  }
0x91: {  	s17 =	sld [smem:$0x3FFB];
	_ =	sdelay $0x3  }
0x92: {  	_ =	strace s17  }
0x93: {  	s2 =	sld [smem:$0x3FFC];
	_ =	sdelay $0x3  }
0x94: {  	_ =	strace s2  }
0x95: {  	s2 =	sld [smem:$0x3FFD];
	_ =	sdelay $0x3  }
0x96: {  	_ =	strace s2  }
0x97: {  	_ =	strace $0x8FFFFFFF  }
0x98: {  	s18 =	sld [smem:$0x3FDB];
	_ =	sdelay $0x1  }
0x99: {  	s19 =	simm.s32 $_scs_section_size  }
0x9a: {  	s4 =	simm.s32 $_size__tile_overlayer_lowered;
	s5 =	simm.s32 $_tile_overlayer_lowered  }
0x9b: {  	s22 =	simm.s32 $0x1BFF;
	s21 =	sshll.u32 s5, $0x1;
	s2 =	sadd.s32 s19, s18  }
0x9c: {  	s6 =	simm.s32 $0x0;
	s20 =	sshll.u32 s4, $0x1;
	s4 =	sadd.s32 s21, s2  }
0x9d: {  	[timem:s6], [sflag:s22] =	dma.local [hbm:s4], s20  }
0x9e: {  	_ =	swait.ge [sflag:s22], s20  }
0x9f: {  	s3 =	ssub.s32 $0x0, s20;
	[sflag:s22] =	ssyncset.done $0x0  }
0xa0: {  	[sflag:s22] =	ssyncadd.s32 s3;
	_ =	sdelay $0x1  }
0xa1: {  	s23 =	simm.s32 $0x1B8B  }
0xa2: {  	_ =	swait.ge [sflag:s23], $0x1  }
0xa3: {  	[sflag:s23] =	ssyncset.done $0x0  }
0xa4: {  	s25 =	simm.s32 $0x1B8E;
	s24 =	sld [smem:$0x3FFE];
	[sflag:s23] =	ssyncadd.s32 $0xFFFFFFFF  }
0xa5: {  	s26 =	simm.s32 $execute0_lowered;
	[smem:$0x3FD2] =	sst s25  }
0xa6: {  	s4 =	sshll.u32 s26, $0x1;
	_ =	strace $0x80000046;
	[dreg:$0x1] =	wrdreg $0xFFFFFFFF  }
0xa7: {  	s28 =	simm.s32 $_size_execute0_lowered;
	s2 =	sadd.s32 s2, s4;
	[dreg:$0x0] =	wrdreg $0x0  }
0xa8: {  	s4 =	sshll.u32 s28, $0x1;
	[dreg:$0x2] =	wrdreg s2  }
0xa9: {  	[dreg:$0x3] =	wrdreg s4  }
0xaa: {  	[dreg:$0x4] =	wrdreg $0xC0  }
0xab: {  	_ =	task [dreg:s6], $0x5FFFF  }
0xac: {  	[dreg:$0x1] =	wrdreg $0xFFFFFFFF  }
0xad: {  	[dreg:$0x0] =	wrdreg $0x60  }
0xae: {  	[dreg:$0x2] =	wrdreg s24  }
0xaf: {  	[dreg:$0x3] =	wrdreg $0xA4000  }
0xb0: {  	[dreg:$0x4] =	wrdreg $0x9  }
0xb1: {  	_ =	task.clear_ibuf [dreg:s6], $0x5FFFF;
	_ =	strace $0x90000046  }
0xb2: {  	s29 =	simm.s32 $0x9;
	_ =	strace $0x80000048  }
0xb3: {  	_ =	swait.ge [sflag:s29], $0x1  }
0xb4: {  	[sflag:s29] =	ssyncadd.s32 $0xFFFFFFFF  }
0xb5: {  	_ =	strace $0x90000048  }
0xb6: {  	_ =	sfence  }
0xb7: {  	s30 =	sld [smem:$0x0];
	_ =	sdelay $0x2  }
0xb8: {  	s31 =	sshll.u32 s1, $0xD;
	s1 =	sshrl.u32 s1, $0x2  }
0xb9: {  	s3 =	sand.u32 $0x4000, s31;
	s1 =	sadd.s32 s1, s30  }
0xba: {  	s0 =	sor.u32 s3, s0;
	s1 =	sshll.u32 s1, $0x11  }
0xbb: {  	s0 =	sor.u32 s1, s0  }
0xbc: {  	s0 =	sadd.s32 $0x8F2B, s0  }
0xbd: {  	[sflag:s0] =	ssyncadd.remote.s32 $0x1  }
0xbe: {  	_ =	sfence.sel $0xFFFF  }
0xbf: {  	[dreg:$0x0] =	wrdreg $0xFFFFFFFF;
	(pc) =	sbr.abs _section_cstart, $3  }
0xc0: {  	[dreg:$0x1] =	wrdreg $0xFFFFFFFF  }
0xc1: {  	_ =	task.clear_ibuf [dreg:s6], $0x2FFFF;
	_ =	strace $0x9FFFFFFF  }
0xc2: {  	(tm) =	ssettm $0x7FFFFFFF  }
0xc3: {  	_ =	shalt  }
tec
execute0_lowered:
.L_overlay_start_1:
0x0: {  	(tag) =	ssettag $0x1  }
0x1: {  	s0 =	rddreg [dreg:$0x0]  }
0x2: {  	s1 =	rddreg [dreg:$0x1];
	s2 =	simm.s32 $0x0;
	s3 =	srdreg.scid  }
0x3: {  	s11 =	stileid.u32;
	s28 =	simm.s32 $0x100;
	s29 =	simm.s32 $0x200  }
0x4: {  	s30 =	simm.s32 $0x300;
	s31 =	simm.s32 $0x1;
	s6 =	smul.u32 $0x4E200, s11  }
0x5: {  	[smem:$0x7FF] =	sst s2;
	s4 =	sadd.s32 $0x71E00, s0;
	s24 =	smul.u32 $0x13800, s11  }
0x6: {  	s3 =	sand.u32 $0x1, s3;
	s5 =	sadd.s32 $0x52A00, s0;
	s13 =	smul.u32 $0x7D00, s11  }
0x7: {  	s0 =	sadd.s32 $0xC0000, s0;
	s16 =	smul.u32 $0x4E000, s11;
	p0 =	sne.s32 s11, $0x0  }
0x8: {  	_ =	strace $0x80000047;
	s7 =	ssub.s32 $0x2, s3;
	s22 =	smul.u32 $0x138800, s3  }
0x9: {  	s9 =	sshll.u32 s3, $0x4;
	s3 =	smul.u32 $0x7D000, s3;
	[dreg:$0x1a] =	wrdreg s5  }
0xa: {  	s8 =	sshrl.u32 s7, $0x1;
	s6 =	sshrl.u32 s6, $0x2;
	s17 =	sor.u32 s11, s9  }
0xb: {  	s11 =	simm.s32 $0x7C00;
	s7 =	ssub.s32 s7, s8;
	s10 =	sadd.s32 s6, s1  }
0xc: {  	s19 =	smul.u32 $0x7D00, s17;
	s6 =	sadd.s32 $0x2800, s10;
	[dreg:$0x6] =	wrdreg s10  }
0xd: {  	s9 =	sadd.s32 s24, s22;
	s18 =	sadd.s32 $0x5000, s10;
	[dreg:$0x7] =	wrdreg s6  }
0xe: {  	s3 =	sadd.s32 s13, s3;
	s20 =	sadd.s32 $0x7800, s10;
	[dreg:$0x8] =	wrdreg s18  }
0xf: {  	s8 =	sshrl.u32 s22, $0x3;
	s21 =	sadd.s32 $0xA000, s10;
	[dreg:$0x9] =	wrdreg s20  }
0x10: {  	s13 =	simm.s32 $0xC;
	s23 =	sadd.s32 $0xC800, s10;
	[dreg:$0xa] =	wrdreg s21  }
0x11: {  	s12 =	sadd.s32 $0xF000, s10;
	s26 =	sadd.s32 $0x11800, s10;
	[dreg:$0xb] =	wrdreg s23  }
0x12: {  	s9 =	sshrl.u32 s9, $0x3;
	s7 =	smax.u32 s7, $0x1;
	[dreg:$0xc] =	wrdreg s12  }
0x13: {  	s6 =	sshrl.u32 s19, $0x3;
	[dreg:$0xe] =	wrdreg s26;
	s18 =	sadd.s32 s0, s9  }
0x14: {  	s19 =	sadd.s32 $0x700, s3;
	s20 =	sshrl.u32 s16, $0x2;
	s0 =	sadd.s32 s0, s8  }
0x15: {  	s21 =	sadd.s32 $0x600, s3;
	s23 =	sadd.s32 $0x500, s3;
	[dreg:$0x15] =	wrdreg s7  }
0x16: {  	s7 =	simm.s32 $0x2C00;
	s12 =	simm.s32 $0x5;
	s16 =	simm.s32 $0x0  }
0x17: {  	s25 =	sadd.s32 s5, s6;
	[dreg:$0x13] =	wrdreg s18;
	s6 =	sshrl.u32 s19, $0x3  }
0x18: {  	s22 =	sshrl.u32 s21, $0x3;
	s9 =	sadd.s32 s20, s1;
	s8 =	sshrl.u32 s23, $0x3  }
0x19: {  	s0 =	sadd.s32 $0x27000, s0;
	s23 =	simm.s32 $0x400;
	[dreg:$0xd] =	wrdreg s25  }
0x1a: {  	s19 =	simm.s32 $0x8;
	s10 =	sadd.s32 $0x20, s25;
	[dreg:$0x14] =	wrdreg s0  }
0x1b: {  	s21 =	simm.s32 $0x9;
	s14 =	sadd.s32 $0x40, s25;
	[dreg:$0xf] =	wrdreg s10  }
0x1c: {  	s20 =	simm.s32 $0x180;
	s15 =	sadd.s32 $0x60, s25;
	[dreg:$0x10] =	wrdreg s14  }
0x1d: {  	s18 =	simm.s32 $0x380;
	s17 =	sadd.s32 $0xF80, s25;
	[dreg:$0x11] =	wrdreg s15  }
0x1e: {  	s6 =	sadd.s32 s6, s5;
	s24 =	sadd.s32 s8, s5;
	[dreg:$0x12] =	wrdreg s17  }
0x1f: {  	s25 =	sadd.s32 $0x400, s3;
	s26 =	sshrl.u32 s9, $0x3;
	[dreg:$0x3] =	wrdreg s6  }
0x20: {  	s3 =	simm.s32 $0x2;
	s8 =	simm.s32 $0x3;
	[dreg:$0x5] =	wrdreg s24  }
0x21: {  	s9 =	simm.s32 $0x5400;
	s6 =	sadd.s32 s22, s5;
	[dreg:$0x16] =	wrdreg s25  }
0x22: {  	[dreg:$0x17] =	wrdreg s26;
	s26 =	simm.s32 $0xD;
	s10 =	simm.s32 $0x4  }
0x23: {  	s15 =	simm.s32 $0x6;
	[dreg:$0x4] =	wrdreg s6;
	s6 =	sadd.s32 $0x138000, s1  }
0x24: {  	s17 =	simm.s32 $0x7;
	s24 =	simm.s32 $0xA;
	s0 =	sshrl.u32 @!p0 s6, $0x3  }
0x25: {  	v0 =	vimm.f32 $0.0e+00;
	s25 =	simm.s32 $0xB;
	[dreg:$0x18] =	wrdreg s0;
	s0 =	simm.s32 $0x50  }
.LBB2_1:
0x26: {  	[dreg:$0x19] =	wrdreg s16;
	s6 =	simm.s32 $0x0;
	s22 =	simm.s32 $0x200  }
.LBB2_2:
0x27: {  	p1 =	sne.s32 s22, $0x9E00;
	[tilespmem:s6+$0x470] =	vst v0  }
0x28: {  	[tilespmem:s6+$0x400] =	vst v0  }
0x29: {  	[tilespmem:s6+$0x410] =	vst v0  }
.Ltmp0:
0x2a: {  	[tilespmem:s6+$0x420] =	vst v0;
	(pc) =	sbr.rel @p1 .LBB2_2-.Ltmp0, $4  }
0x2b: {  	[tilespmem:s6+$0x430] =	vst v0  }
0x2c: {  	[tilespmem:s6+$0x440] =	vst v0  }
0x2d: {  	[tilespmem:s6+$0x450] =	vst v0  }
0x2e: {  	[tilespmem:s6+$0x460] =	vst v0;
	s6 =	sshra.s32 s22, $0x2;
	s22 =	sadd.s32 $0x200, s22  }
0x2f: {  	[tilespmem:s6+$0x470] =	vst v0  }
0x30: {  	[tilespmem:s6+$0x400] =	vst v0  }
0x31: {  	[tilespmem:s6+$0x410] =	vst v0  }
0x32: {  	[tilespmem:s6+$0x420] =	vst v0  }
0x33: {  	[tilespmem:s6+$0x430] =	vst v0  }
0x34: {  	[tilespmem:s6+$0x440] =	vst v0  }
0x35: {  	[tilespmem:s6+$0x450] =	vst v0  }
0x36: {  	[tilespmem:s6+$0x460] =	vst v0;
	s22 =	rddreg [dreg:$0x6]  }
0x37: {  	[spmem:s22] =	stream.linear.scatter [tilespmem:s23], [sflag:$0xD], $0x2800, $0x38;
	[tilespmem:$0x1DC80] =	vst v63  }
0x38: {  	_ =	swait.ge [sflag:s26], $0x2800  }
0x39: {  	[sflag:s26] =	ssyncset.done $0x0  }
0x3a: {  	s5 =	rddreg [dreg:$0x7];
	[sflag:s26] =	ssyncadd.s32 $0xFFFFD800  }
0x3b: {  	[spmem:s5] =	stream.linear.scatter [tilespmem:s23], [sflag:$0xD], $0x2800, $0x38;
	[tilespmem:$0x1DC80] =	vst v63  }
0x3c: {  	_ =	swait.ge [sflag:s26], $0x2800  }
0x3d: {  	[sflag:s26] =	ssyncset.done $0x0  }
0x3e: {  	s14 =	rddreg [dreg:$0x8];
	[sflag:s26] =	ssyncadd.s32 $0xFFFFD800  }
0x3f: {  	[spmem:s14] =	stream.linear.scatter [tilespmem:s23], [sflag:$0xD], $0x2800, $0x38;
	[tilespmem:$0x1DC80] =	vst v63  }
0x40: {  	_ =	swait.ge [sflag:s26], $0x2800  }
0x41: {  	[sflag:s26] =	ssyncset.done $0x0  }
0x42: {  	s16 =	rddreg [dreg:$0x9];
	[sflag:s26] =	ssyncadd.s32 $0xFFFFD800  }
0x43: {  	[spmem:s16] =	stream.linear.scatter [tilespmem:s23], [sflag:$0xD], $0x2800, $0x38;
	[tilespmem:$0x1DC80] =	vst v63  }
0x44: {  	_ =	swait.ge [sflag:s26], $0x2800  }
0x45: {  	[sflag:s26] =	ssyncset.done $0x0  }
0x46: {  	s22 =	rddreg [dreg:$0xa];
	[sflag:s26] =	ssyncadd.s32 $0xFFFFD800  }
0x47: {  	[spmem:s22] =	stream.linear.scatter [tilespmem:s23], [sflag:$0xD], $0x2800, $0x38;
	[tilespmem:$0x1DC80] =	vst v63  }
0x48: {  	_ =	swait.ge [sflag:s26], $0x2800  }
0x49: {  	[sflag:s26] =	ssyncset.done $0x0  }
0x4a: {  	s5 =	rddreg [dreg:$0xb];
	[sflag:s26] =	ssyncadd.s32 $0xFFFFD800  }
0x4b: {  	[spmem:s5] =	stream.linear.scatter [tilespmem:s23], [sflag:$0xD], $0x2800, $0x38;
	[tilespmem:$0x1DC80] =	vst v63  }
0x4c: {  	_ =	swait.ge [sflag:s26], $0x2800  }
0x4d: {  	[sflag:s26] =	ssyncset.done $0x0  }
0x4e: {  	s14 =	rddreg [dreg:$0xc];
	[sflag:s26] =	ssyncadd.s32 $0xFFFFD800  }
0x4f: {  	[spmem:s14] =	stream.linear.scatter [tilespmem:s23], [sflag:$0xD], $0x2800, $0x38;
	[tilespmem:$0x1DC80] =	vst v63  }
0x50: {  	_ =	swait.ge [sflag:s26], $0x2800  }
0x51: {  	[sflag:s26] =	ssyncset.done $0x0  }
0x52: {  	s16 =	rddreg [dreg:$0xe];
	[sflag:s26] =	ssyncadd.s32 $0xFFFFD800  }
0x53: {  	[spmem:s16] =	stream.linear.scatter [tilespmem:s23], [sflag:$0xD], $0x2080, $0x38;
	[tilespmem:$0x1DC80] =	vst v63  }
0x54: {  	_ =	swait.ge [sflag:s26], $0x2080  }
0x55: {  	[sflag:s26] =	ssyncset.done $0x0  }
0x56: {  	[sflag:s26] =	ssyncadd.s32 $0xFFFFDF80  }
0x57: {  	[bflag:$0x0] =	sbarrier.arrive $0xFFFF  }
0x58: {  	s22 =	simm.s32 $0x0;
	s14 =	rddreg [dreg:$0xd]  }
0x59: {  	[tilespmem:s22], [sflag:$0x1] =	stream.linear.gather [hbm4b:s14+s22], $0x100, $0x38;
	[tilespmem:$0x1DC80] =	vst v63  }
0x5a: {  	s26 =	rddreg [dreg:$0xf]  }
0x5b: {  	[tilespmem:s28], [sflag:$0x2] =	stream.linear.gather [hbm4b:s26+s22], $0x100, $0x38;
	[tilespmem:$0x1DC80] =	vst v63  }
0x5c: {  	s5 =	rddreg [dreg:$0x10]  }
0x5d: {  	[tilespmem:s29], [sflag:$0x3] =	stream.linear.gather [hbm4b:s5+s22], $0x100, $0x38;
	[tilespmem:$0x1DC80] =	vst v63  }
0x5e: {  	s16 =	rddreg [dreg:$0x11]  }
0x5f: {  	[tilespmem:s30], [sflag:$0x4] =	stream.linear.gather [hbm4b:s16+s22], $0x100, $0x38;
	[tilespmem:$0x1DC80] =	vst v63  }
0x60: {  	_ =	swait.ge [sflag:s31], $0x100  }
0x61: {  	[sflag:s31] =	ssyncset.done $0x0  }
0x62: {  	[sflag:s31] =	ssyncadd.s32 $0xFFFFFF00  }
0x63: {  	[tilespmem:s23], [sflag:$0x5] =	stream.indirect.gather [hbm4b:s4+s0], $0x80, s22, s0, $0xb8;
	[tilespmem:$0x1DC80] =	vst v63  }
0x64: {  	_ =	swait.ge [sflag:s3], $0x100  }
0x65: {  	[sflag:s3] =	ssyncset.done $0x0  }
0x66: {  	[sflag:s3] =	ssyncadd.s32 $0xFFFFFF00  }
0x67: {  	[tilespmem:s7], [sflag:$0x6] =	stream.indirect.gather [hbm4b:s4+s0], $0x80, s28, s0, $0xb8;
	[tilespmem:$0x1DC80] =	vst v63  }
0x68: {  	_ =	swait.ge [sflag:s8], $0x100  }
0x69: {  	[sflag:s8] =	ssyncset.done $0x0  }
0x6a: {  	[sflag:s8] =	ssyncadd.s32 $0xFFFFFF00  }
0x6b: {  	[tilespmem:s9], [sflag:$0x7] =	stream.indirect.gather [hbm4b:s4+s0], $0x80, s29, s0, $0xb8;
	[tilespmem:$0x1DC80] =	vst v63  }
0x6c: {  	_ =	swait.ge [sflag:s10], $0x100  }
0x6d: {  	[sflag:s10] =	ssyncset.done $0x0  }
0x6e: {  	[sflag:s10] =	ssyncadd.s32 $0xFFFFFF00  }
0x6f: {  	[tilespmem:s11], [sflag:$0x8] =	stream.indirect.gather [hbm4b:s4+s0], $0x80, s30, s0, $0xb8;
	[tilespmem:$0x1DC80] =	vst v63  }
0x70: {  	_ =	swait.ge [sflag:s12], $0x2800  }
0x71: {  	[sflag:s12] =	ssyncset.done $0x0  }
0x72: {  	s22 =	simm.s32 $0x80;
	[sflag:s12] =	ssyncadd.s32 $0xFFFFD800  }
0x73: {  	[spmem:s1] =	stream.indirect.scatter.add.f32 [tilespmem:s23], [sflag:$0x9], $0x80, s22, s0, $0xb8;
	[tilespmem:$0x1DC80] =	vst v63  }
0x74: {  	_ =	swait.ge [sflag:s15], $0x2800  }
0x75: {  	[sflag:s15] =	ssyncset.done $0x0  }
0x76: {  	s26 =	simm.s32 $0x180;
	[sflag:s15] =	ssyncadd.s32 $0xFFFFD800  }
0x77: {  	[spmem:s1] =	stream.indirect.scatter.add.f32 [tilespmem:s7], [sflag:$0xA], $0x80, s26, s0, $0xb8;
	[tilespmem:$0x1DC80] =	vst v63  }
0x78: {  	_ =	swait.ge [sflag:s17], $0x2800  }
0x79: {  	[sflag:s17] =	ssyncset.done $0x0  }
0x7a: {  	s14 =	simm.s32 $0x280;
	[sflag:s17] =	ssyncadd.s32 $0xFFFFD800  }
0x7b: {  	[spmem:s1] =	stream.indirect.scatter.add.f32 [tilespmem:s9], [sflag:$0xB], $0x80, s14, s0, $0xb8;
	[tilespmem:$0x1DC80] =	vst v63  }
0x7c: {  	_ =	swait.ge [sflag:s19], $0x2800  }
0x7d: {  	[sflag:s19] =	ssyncset.done $0x0  }
0x7e: {  	s16 =	simm.s32 $0x380;
	[sflag:s19] =	ssyncadd.s32 $0xFFFFD800  }
0x7f: {  	[spmem:s1] =	stream.indirect.scatter.add.f32 [tilespmem:s11], [sflag:$0xC], $0x80, s16, s0, $0xb8;
	[tilespmem:$0x1DC80] =	vst v63  }
0x80: {  	_ =	swait.ge [sflag:s21], $0x2800  }
0x81: {  	s14 =	rddreg [dreg:$0x16]  }
0x82: {  	[sflag:s21] =	ssyncset.done $0x0;
	s16 =	rddreg [dreg:$0x1a];
	s22 =	sshrl.u32 s14, $0x3  }
0x83: {  	[sflag:s21] =	ssyncadd.s32 $0xFFFFD800;
	s6 =	sadd.s32 s16, s22  }
0x84: {  	[tilespmem:s2], [sflag:$0x1] =	stream.linear.gather [hbm4b:s6+s2], $0x100, $0x38;
	[tilespmem:$0x1DC80] =	vst v63  }
0x85: {  	_ =	swait.ge [sflag:s24], $0x2800  }
0x86: {  	s26 =	rddreg [dreg:$0x5];
	[sflag:s24] =	ssyncset.done $0x0  }
0x87: {  	[sflag:s24] =	ssyncadd.s32 $0xFFFFD800;
	s6 =	sadd.s32 $0x0, s26  }
0x88: {  	[tilespmem:s28], [sflag:$0x2] =	stream.linear.gather [hbm4b:s6+s2], $0x100, $0x38;
	[tilespmem:$0x1DC80] =	vst v63  }
0x89: {  	_ =	swait.ge [sflag:s25], $0x2800  }
0x8a: {  	s22 =	rddreg [dreg:$0x4];
	[sflag:s25] =	ssyncset.done $0x0  }
0x8b: {  	[sflag:s25] =	ssyncadd.s32 $0xFFFFD800;
	s6 =	sadd.s32 $0x0, s22  }
0x8c: {  	[tilespmem:s29], [sflag:$0x3] =	stream.linear.gather [hbm4b:s6+s2], $0x100, $0x38;
	[tilespmem:$0x1DC80] =	vst v63  }
0x8d: {  	_ =	swait.ge [sflag:s13], $0x2800  }
0x8e: {  	s26 =	rddreg [dreg:$0x3];
	[sflag:s13] =	ssyncset.done $0x0  }
0x8f: {  	[sflag:s13] =	ssyncadd.s32 $0xFFFFD800;
	s6 =	sadd.s32 $0x0, s26  }
0x90: {  	[tilespmem:s30], [sflag:$0x4] =	stream.linear.gather [hbm4b:s6+s2], $0x100, $0x38;
	[tilespmem:$0x1DC80] =	vst v63  }
0x91: {  	_ =	swait.ge [sflag:s31], $0x100  }
0x92: {  	[sflag:s31] =	ssyncset.done $0x0  }
0x93: {  	[sflag:s31] =	ssyncadd.s32 $0xFFFFFF00  }
0x94: {  	[tilespmem:s23], [sflag:$0x5] =	stream.indirect.gather [hbm4b:s4+s0], $0x80, s2, s0, $0xb8;
	[tilespmem:$0x1DC80] =	vst v63  }
0x95: {  	_ =	swait.ge [sflag:s3], $0x100  }
0x96: {  	[sflag:s3] =	ssyncset.done $0x0  }
0x97: {  	[sflag:s3] =	ssyncadd.s32 $0xFFFFFF00  }
0x98: {  	[tilespmem:s7], [sflag:$0x6] =	stream.indirect.gather [hbm4b:s4+s0], $0x80, s28, s0, $0xb8;
	[tilespmem:$0x1DC80] =	vst v63  }
0x99: {  	_ =	swait.ge [sflag:s8], $0x100  }
0x9a: {  	[sflag:s8] =	ssyncset.done $0x0  }
0x9b: {  	[sflag:s8] =	ssyncadd.s32 $0xFFFFFF00  }
0x9c: {  	[tilespmem:s9], [sflag:$0x7] =	stream.indirect.gather [hbm4b:s4+s0], $0x80, s29, s0, $0xb8;
	[tilespmem:$0x1DC80] =	vst v63  }
0x9d: {  	_ =	swait.ge [sflag:s10], $0x100  }
0x9e: {  	s5 =	simm.s32 $0x80;
	[sflag:s10] =	ssyncset.done $0x0  }
0x9f: {  	s22 =	simm.s32 $0x80;
	s6 =	sadd.s32 $0x400, s14;
	[sflag:s10] =	ssyncadd.s32 $0xFFFFFF00  }
.LBB2_4:
0xa0: {  	[tilespmem:s11], [sflag:$0x8] =	stream.indirect.gather [hbm4b:s4+s0], $0x80, s30, s0, $0xb8;
	[tilespmem:$0x1DC80] =	vst v63  }
0xa1: {  	_ =	swait.ge [sflag:s12], $0x2800  }
0xa2: {  	[sflag:s12] =	ssyncset.done $0x0  }
0xa3: {  	[sflag:s12] =	ssyncadd.s32 $0xFFFFD800  }
0xa4: {  	[spmem:s1] =	stream.indirect.scatter.add.f32 [tilespmem:s23], [sflag:$0x9], $0x80, s5, s0, $0xb8;
	[tilespmem:$0x1DC80] =	vst v63  }
0xa5: {  	_ =	swait.ge [sflag:s15], $0x2800  }
0xa6: {  	[sflag:s15] =	ssyncset.done $0x0  }
0xa7: {  	[sflag:s15] =	ssyncadd.s32 $0xFFFFD800  }
0xa8: {  	[spmem:s1] =	stream.indirect.scatter.add.f32 [tilespmem:s7], [sflag:$0xA], $0x80, s20, s0, $0xb8;
	[tilespmem:$0x1DC80] =	vst v63  }
0xa9: {  	_ =	swait.ge [sflag:s17], $0x2800  }
0xaa: {  	[sflag:s17] =	ssyncset.done $0x0  }
0xab: {  	s14 =	simm.s32 $0x280;
	[sflag:s17] =	ssyncadd.s32 $0xFFFFD800  }
0xac: {  	[spmem:s1] =	stream.indirect.scatter.add.f32 [tilespmem:s9], [sflag:$0xB], $0x80, s14, s0, $0xb8;
	[tilespmem:$0x1DC80] =	vst v63  }
0xad: {  	_ =	swait.ge [sflag:s19], $0x2800  }
0xae: {  	[sflag:s19] =	ssyncset.done $0x0  }
0xaf: {  	[sflag:s19] =	ssyncadd.s32 $0xFFFFD800  }
0xb0: {  	[spmem:s1] =	stream.indirect.scatter.add.f32 [tilespmem:s11], [sflag:$0xC], $0x80, s18, s0, $0xb8;
	[tilespmem:$0x1DC80] =	vst v63  }
0xb1: {  	_ =	swait.ge [sflag:s21], $0x2800  }
0xb2: {  	s14 =	sshrl.u32 s6, $0x3;
	[sflag:s21] =	ssyncset.done $0x0  }
0xb3: {  	s14 =	sadd.s32 s16, s14;
	[sflag:s21] =	ssyncadd.s32 $0xFFFFD800  }
0xb4: {  	[tilespmem:s2], [sflag:$0x1] =	stream.linear.gather [hbm4b:s14+s2], $0x100, $0x38;
	[tilespmem:$0x1DC80] =	vst v63  }
0xb5: {  	_ =	swait.ge [sflag:s24], $0x2800  }
0xb6: {  	s26 =	smov.u32 s22;
	s14 =	rddreg [dreg:$0x5];
	[sflag:s24] =	ssyncset.done $0x0  }
0xb7: {  	[sflag:s24] =	ssyncadd.s32 $0xFFFFD800;
	s14 =	sadd.s32 s26, s14  }
0xb8: {  	[tilespmem:s28], [sflag:$0x2] =	stream.linear.gather [hbm4b:s14+s2], $0x100, $0x38;
	[tilespmem:$0x1DC80] =	vst v63  }
0xb9: {  	_ =	swait.ge [sflag:s25], $0x2800  }
0xba: {  	s14 =	rddreg [dreg:$0x4];
	[sflag:s25] =	ssyncset.done $0x0  }
0xbb: {  	[sflag:s25] =	ssyncadd.s32 $0xFFFFD800;
	s14 =	sadd.s32 s26, s14  }
0xbc: {  	[tilespmem:s29], [sflag:$0x3] =	stream.linear.gather [hbm4b:s14+s2], $0x100, $0x38;
	[tilespmem:$0x1DC80] =	vst v63  }
0xbd: {  	_ =	swait.ge [sflag:s13], $0x2800  }
0xbe: {  	s14 =	rddreg [dreg:$0x3];
	[sflag:s13] =	ssyncset.done $0x0  }
0xbf: {  	[sflag:s13] =	ssyncadd.s32 $0xFFFFD800;
	s14 =	sadd.s32 s26, s14  }
0xc0: {  	[tilespmem:s30], [sflag:$0x4] =	stream.linear.gather [hbm4b:s14+s2], $0x100, $0x38;
	[tilespmem:$0x1DC80] =	vst v63  }
0xc1: {  	_ =	swait.ge [sflag:s31], $0x100  }
0xc2: {  	[sflag:s31] =	ssyncset.done $0x0  }
0xc3: {  	[sflag:s31] =	ssyncadd.s32 $0xFFFFFF00  }
0xc4: {  	[tilespmem:s23], [sflag:$0x5] =	stream.indirect.gather [hbm4b:s4+s0], $0x80, s2, s0, $0xb8;
	[tilespmem:$0x1DC80] =	vst v63  }
0xc5: {  	_ =	swait.ge [sflag:s3], $0x100  }
0xc6: {  	[sflag:s3] =	ssyncset.done $0x0  }
0xc7: {  	[sflag:s3] =	ssyncadd.s32 $0xFFFFFF00  }
0xc8: {  	[tilespmem:s7], [sflag:$0x6] =	stream.indirect.gather [hbm4b:s4+s0], $0x80, s28, s0, $0xb8;
	[tilespmem:$0x1DC80] =	vst v63  }
0xc9: {  	_ =	swait.ge [sflag:s8], $0x100  }
0xca: {  	p1 =	sne.s32 s22, $0xE80;
	[sflag:s8] =	ssyncset.done $0x0  }
.Ltmp1:
0xcb: {  	[sflag:s8] =	ssyncadd.s32 $0xFFFFFF00;
	(pc) =	sbr.rel @p1 .LBB2_4-.Ltmp1, $4  }
0xcc: {  	[tilespmem:s9], [sflag:$0x7] =	stream.indirect.gather [hbm4b:s4+s0], $0x80, s29, s0, $0xb8;
	[tilespmem:$0x1DC80] =	vst v63  }
0xcd: {  	_ =	swait.ge [sflag:s10], $0x100  }
0xce: {  	[sflag:s10] =	ssyncset.done $0x0  }
0xcf: {  	s22 =	sadd.s32 $0x80, s22;
	s6 =	sadd.s32 $0x400, s6;
	[sflag:s10] =	ssyncadd.s32 $0xFFFFFF00  }
0xd0: {  	[tilespmem:s11], [sflag:$0x8] =	stream.indirect.gather [hbm4b:s4+s0], $0x80, s30, s0, $0xb8;
	[tilespmem:$0x1DC80] =	vst v63  }
0xd1: {  	_ =	swait.ge [sflag:s12], $0x2800  }
0xd2: {  	[sflag:s12] =	ssyncset.done $0x0  }
0xd3: {  	s5 =	simm.s32 $0x80;
	[sflag:s12] =	ssyncadd.s32 $0xFFFFD800  }
0xd4: {  	[spmem:s1] =	stream.indirect.scatter.add.f32 [tilespmem:s23], [sflag:$0x9], $0x80, s5, s0, $0xb8;
	[tilespmem:$0x1DC80] =	vst v63  }
0xd5: {  	_ =	swait.ge [sflag:s15], $0x2800  }
0xd6: {  	[sflag:s15] =	ssyncset.done $0x0  }
0xd7: {  	[sflag:s15] =	ssyncadd.s32 $0xFFFFD800  }
0xd8: {  	[spmem:s1] =	stream.indirect.scatter.add.f32 [tilespmem:s7], [sflag:$0xA], $0x80, s20, s0, $0xb8;
	[tilespmem:$0x1DC80] =	vst v63  }
0xd9: {  	_ =	swait.ge [sflag:s17], $0x2800  }
0xda: {  	[sflag:s17] =	ssyncset.done $0x0  }
0xdb: {  	s6 =	simm.s32 $0x280;
	[sflag:s17] =	ssyncadd.s32 $0xFFFFD800  }
0xdc: {  	[spmem:s1] =	stream.indirect.scatter.add.f32 [tilespmem:s9], [sflag:$0xB], $0x80, s6, s0, $0xb8;
	[tilespmem:$0x1DC80] =	vst v63  }
0xdd: {  	_ =	swait.ge [sflag:s19], $0x2800  }
0xde: {  	[sflag:s19] =	ssyncset.done $0x0  }
0xdf: {  	[sflag:s19] =	ssyncadd.s32 $0xFFFFD800  }
0xe0: {  	[spmem:s1] =	stream.indirect.scatter.add.f32 [tilespmem:s11], [sflag:$0xC], $0x80, s18, s0, $0xb8;
	[tilespmem:$0x1DC80] =	vst v63  }
0xe1: {  	_ =	swait.ge [sflag:s21], $0x2800  }
0xe2: {  	[sflag:s21] =	ssyncset.done $0x0  }
0xe3: {  	s14 =	rddreg [dreg:$0x12];
	[sflag:s21] =	ssyncadd.s32 $0xFFFFD800  }
0xe4: {  	[tilespmem:s2], [sflag:$0x1] =	stream.linear.gather [hbm4b:s14+s2], $0x100, $0x38;
	[tilespmem:$0x1DC80] =	vst v63  }
0xe5: {  	_ =	swait.ge [sflag:s31], $0x100  }
0xe6: {  	[sflag:s31] =	ssyncset.done $0x0  }
0xe7: {  	[sflag:s31] =	ssyncadd.s32 $0xFFFFFF00  }
0xe8: {  	[tilespmem:s23], [sflag:$0x5] =	stream.indirect.gather [hbm4b:s4+s0], $0x80, s2, s0, $0xb8;
	[tilespmem:$0x1DC80] =	vst v63  }
0xe9: {  	_ =	swait.ge [sflag:s12], $0x2800  }
0xea: {  	[sflag:s12] =	ssyncset.done $0x0  }
0xeb: {  	[sflag:s12] =	ssyncadd.s32 $0xFFFFD800  }
0xec: {  	[spmem:s1] =	stream.indirect.scatter.add.f32 [tilespmem:s23], [sflag:$0x9], $0x80, s5, s0, $0xb8;
	[tilespmem:$0x1DC80] =	vst v63  }
0xed: {  	_ =	swait.ge [sflag:s21], $0x2800  }
0xee: {  	[sflag:s21] =	ssyncset.done $0x0  }
0xef: {  	[sflag:s21] =	ssyncadd.s32 $0xFFFFD800  }
0xf0: {  	_ =	swait.ge [sflag:s24], $0x2800  }
0xf1: {  	[sflag:s24] =	ssyncset.done $0x0  }
0xf2: {  	[sflag:s24] =	ssyncadd.s32 $0xFFFFD800  }
0xf3: {  	_ =	swait.ge [sflag:s25], $0x2800  }
0xf4: {  	[sflag:s25] =	ssyncset.done $0x0  }
0xf5: {  	[sflag:s25] =	ssyncadd.s32 $0xFFFFD800  }
0xf6: {  	_ =	swait.ge [sflag:s13], $0x2800  }
0xf7: {  	[sflag:s13] =	ssyncset.done $0x0  }
0xf8: {  	[sflag:s13] =	ssyncadd.s32 $0xFFFFD800  }
0xf9: {  	s16 =	stileid.u32;
	[bflag:$0x0] =	sbarrier.arrive $0xFFFF  }
0xfa: {  	s6 =	sshll.u32 s16, $0x6;
	s14 =	rddreg [dreg:$0x13]  }
0xfb: {  	s26 =	simm.s32 $0xD;
	s6 =	sor.u32 $0x1C0D, s6;
	s22 =	rddreg [dreg:$0x17]  }
0xfc: {  	[hbm:s14], [sflag:s6] =	dma.local [spmem:s22], $0x2700  }
0xfd: {  	_ =	swait.ge [sflag:s26], $0x2700  }
0xfe: {  	[sflag:s26] =	ssyncset.done $0x0;
	s14 =	rddreg [dreg:$0x14]  }
0xff: {  	s22 =	rddreg [dreg:$0x18];
	[sflag:s26] =	ssyncadd.s32 $0xFFFFD900  }
0x100: {  	[hbm:s14], [sflag:s6] =	dma.local @!p0 [spmem:s22], $0x100  }
0x101: {  	s6 =	simm.s32 @!p0 $0xD  }
0x102: {  	_ =	swait.ge @!p0 [sflag:s6], $0x100  }
0x103: {  	s16 =	rddreg [dreg:$0x19]  }
0x104: {  	s22 =	rddreg [dreg:$0x15];
	s16 =	sadd.s32 $0x1, s16  }
0x105: {  	p1 =	sne.s32 s16, s22  }
.Ltmp2:
0x106: {  	_ = 	snop;
	(pc) =	sbr.rel @p1 .LBB2_1-.Ltmp2, $3  }
0x107: {  	_ =	sdelay $0x1  }
0x108: {  	[sflag:s6] =	ssyncset.done @!p0 $0x0  }
0x109: {  	[sflag:s6] =	ssyncadd.s32 @!p0 $0xFFFFFF00  }
0x10a: {  	_ =	sfence.sel $0x180000  }
0x10b: {  	[bflag:$0x0] =	sbarrier.arrive $0xFFFF  }
0x10c: {  	_ =	strace $0x90000047  }
0x10d: {  	[bflag:$0x2] =	sbarrier.arrive $0xFFFF  }
0x10e: {  	s0 =	rddreg [dreg:$0x2]  }
0x10f: {  	s0 =	sadd.s32 @!p0 $0x100000, s0  }
0x110: {  	[sflag:s0] =	ssyncadd.tile.s32 @!p0 $0x1;
	_ =	shalt  }
.Lfunc_end2:
_tile_overlayer_lowered:
.L_overlay_start_2:
0x111: {  	(tag) =	ssettag $0x2  }
0x112: {  	s0 =	rddreg [dreg:$0x0];
	s2 =	stileid.u32  }
0x113: {  	s1 =	rddreg [dreg:$0x1];
	p0 =	sne.s32 s2, $0x0  }
0x114: {  	s3 =	rddreg [dreg:$0x2];
	[bflag:$0x3] =	sbarrier.arrive $0xFFFF;
	s2 =	simm.s32 @!p0 $0x1C0D  }
0x115: {  	[timem:s3], [sflag:s2] =	dma.local @!p0 [hbm:s0], s1  }
0x116: {  	s0 =	simm.s32 @!p0 $0xD  }
0x117: {  	_ =	swait.ge @!p0 [sflag:s0], s1  }
0x118: {  	s1 =	ssub.s32 @!p0 $0x0, s1;
	[sflag:s0] =	ssyncset.done @!p0 $0x0  }
0x119: {  	[sflag:s0] =	ssyncadd.s32 @!p0 s1  }
0x11a: {  	[bflag:$0x3] =	sbarrier.arrive $0xFFFF  }
0x11b: {  	_ =	shalt  }

</sc_bundles>
